<compile_context>
chip_gen: v7x
topology: tpu7x:2x2x1
jax: 0.10.2.dev20260603
libtpu: 0.0.44.dev20260713+nightly
codegen_flags: <defaults>
</compile_context>

<pallas_src>
import functools

import jax
import jax.numpy as jnp
import numpy as np
from jax import lax
from jax.experimental import pallas as pl
from jax.experimental.pallas import tpu as pltpu
from jax.experimental.pallas import tpu_sc as plsc

_NC, _NS = 2, 16
_NW = _NC * _NS
_LN = 16


def _window_starts(N, B, rpw, rpad, win):
    base = np.arange(_NW) * rpw
    bstart = base // N
    win0 = (bstart * N) & ~15
    return np.minimum(win0, rpad - win)


def _sc_attention(xT, gidx, w1b, w2b, *, N, rpad, rpw, kp, K, L, win):
    ow = K * L
    groups = rpw // _LN
    kv1 = K - _LN

    mesh = plsc.VectorSubcoreMesh(
        core_axis_name="c", subcore_axis_name="s",
        num_cores=_NC, num_subcores=_NS)

    @functools.partial(
        pl.kernel,
        out_type=(jax.ShapeDtypeStruct((rpad * ow,), jnp.float32),
                  jax.ShapeDtypeStruct((_NW * _LN,), jnp.float32)),
        mesh=mesh,
        compiler_params=pltpu.CompilerParams(needs_layout_passes=False),
        scratch_types=[
            pltpu.VMEM((L * win,), jnp.float32),
            pltpu.VMEM((rpw * kp,), jnp.int32),
            pltpu.VMEM((win,), jnp.float32),
            pltpu.VMEM((-(-rpw // 128) * 128,), jnp.float32),
            pltpu.VMEM((L * _LN,), jnp.float32),
            pltpu.VMEM((L * _LN,), jnp.float32),
            pltpu.VMEM((ow * rpw,), jnp.float32),
            pltpu.VMEM((_LN,), jnp.float32),
        ],
    )
    def run(xT_h, gidx_h, w1_h, w2_h, out_h, part_h,
            xT_v, gidx_v, f_v, e_v, w1_v, w2_v, ob, acc_v):
        wid = lax.axis_index("s") * _NC + lax.axis_index("c")
        base = wid * rpw
        win0 = pl.multiple_of(
            jnp.minimum(((base // N) * N) & ~15, rpad - win), 16)

        for l in range(L):
            pltpu.sync_copy(xT_h.at[pl.ds(l * rpad + win0, win)],
                            xT_v.at[pl.ds(l * win, win)])
        pltpu.sync_copy(gidx_h.at[pl.ds(base * kp, rpw * kp)], gidx_v)
        pltpu.sync_copy(w1_h, w1_v)
        pltpu.sync_copy(w2_h, w2_v)

        w1vec = [w1_v[pl.ds(l * _LN, _LN)] for l in range(L)]
        w2vec = [w2_v[pl.ds(l * _LN, _LN)] for l in range(L)]

        @pl.loop(0, win // _LN)
        def _f(c):
            o = c * _LN
            fv = xT_v[pl.ds(o, _LN)] * w2vec[0]
            for l in range(1, L):
                fv = fv + xT_v[pl.ds(l * win + o, _LN)] * w2vec[l]
            f_v[pl.ds(o, _LN)] = fv

        loff = base - win0
        for ce in range(groups):
            o = loff + ce * _LN
            ev = xT_v[pl.ds(o, _LN)] * w1vec[0]
            for l in range(1, L):
                ev = ev + xT_v[pl.ds(l * win + o, _LN)] * w1vec[l]
            e_v[pl.ds(ce * _LN, _LN)] = ev

        acc_v[...] = jnp.zeros((_LN,), jnp.float32)
        lane = lax.iota(jnp.int32, _LN)
        maskv = lane < kv1
        ki0 = lane * (L * rpw)
        ki1 = (lane + _LN) * (L * rpw)

        @pl.loop(0, rpw)
        def _row(r):
            e_s = plsc.load_gather(e_v, [jnp.broadcast_to(r, (_LN,))])
            j0 = gidx_v[pl.ds(r * kp, _LN)]
            j1 = gidx_v[pl.ds(r * kp + _LN, _LN)]
            s0 = e_s + plsc.load_gather(f_v, [j0])
            s1 = e_s + plsc.load_gather(f_v, [j1])
            s0 = jnp.maximum(s0, 0.5 * s0)
            s1 = jnp.maximum(s1, 0.5 * s1)
            mx = jnp.max(jnp.maximum(s0, jnp.where(maskv, s1, -3e38)))
            p0 = jnp.exp(s0 - mx)
            p1 = jnp.where(maskv, jnp.exp(s1 - mx), 0.0)
            sm = jnp.sum(p0 + p1)
            a0 = p0 / sm
            a1 = p1 / sm
            o0 = ki0 + r
            o1 = ki1 + r
            rs = jnp.zeros((_LN,), jnp.float32)
            for l in range(L):
                x0 = plsc.load_gather(xT_v, [j0 + (l * win)])
                x1 = plsc.load_gather(xT_v, [j1 + (l * win)])
                v0 = a0 * x0
                v1 = a1 * x1
                plsc.store_scatter(ob, [o0 + (l * rpw)], v0)
                plsc.store_scatter(ob, [o1 + (l * rpw)], v1, mask=maskv)
                rs = rs + v0 + v1
            plsc.addupdate(acc_v.at[pl.ds(0, _LN)], rs)

        pltpu.sync_copy(ob, out_h.at[pl.ds(wid * (ow * rpw), ow * rpw)])
        pltpu.sync_copy(acc_v, part_h.at[pl.ds(wid * _LN, _LN)])

    return run(xT, gidx, w1b, w2b)


def kernel(fushed_features, input_data, adj_mx_topk_index, W, a):
    del fushed_features
    B, N, L = input_data.shape
    K = adj_mx_topk_index.shape[2]
    S = W.shape[1]
    R = B * N
    kp = 2 * _LN
    rpw = -(-R // (_NW * _LN)) * _LN
    rpad = _NW * rpw
    win = -(-(2 * N + 16) // _LN) * _LN

    w1 = jnp.matmul(W, a[:S, 0], precision="highest")
    w2 = jnp.matmul(W, a[S:, 0], precision="highest")
    w1b = jnp.tile(w1[:, None], (1, _LN)).reshape(-1)
    w2b = jnp.tile(w2[:, None], (1, _LN)).reshape(-1)

    x2 = jnp.pad(input_data.reshape(R, L), ((0, rpad - R), (0, 0)))
    xT = x2.T.reshape(-1)

    win0 = _window_starts(N, B, rpw, rpad, win)
    gidx = (adj_mx_topk_index.astype(jnp.int32)
            + (jnp.arange(B, dtype=jnp.int32) * N)[:, None, None])
    gidx = jnp.pad(gidx.reshape(R, K), ((0, rpad - R), (0, kp - K)),
                   constant_values=R)
    shift = jnp.asarray(np.repeat(win0, rpw).astype(np.int32))
    gidx = jnp.clip(gidx - shift[:, None], 0, win - 1)

    out_wkr, part = _sc_attention(
        xT, gidx.reshape(-1), w1b, w2b,
        N=N, rpad=rpad, rpw=rpw, kp=kp, K=K, L=L, win=win)

    out = (out_wkr.reshape(_NW, K * L, rpw)
           .transpose(1, 0, 2).reshape(K, L, rpad)[:, :, :R]
           .reshape(K, L, B, N).transpose(2, 3, 0, 1))
    m = jnp.sum(part) / (B * N * K * L)
    return (out, m, m, m)

# --- scband reference (transcript-rebuilt; emitter-appended) ---
"""Pipeline reference for scband-clustering-attention-45286135169491 (READ-ONLY COPY).

The authoritative reference and input builder live on the scoring server;
editing this copy changes nothing except your own understanding.
"""

import jax, jax.numpy as jnp
import numpy as np


def _xavier(key, shape, gain=1.414):
    fan_in, fan_out = shape[0], shape[1]
    bound = gain * np.sqrt(6.0 / (fan_in + fan_out))
    return jax.random.uniform(key, shape, jnp.float32, -bound, bound)


def setup_inputs(seed: int = 0) -> dict:
    key = jax.random.key(seed)
    ks = jax.random.split(key, 5)
    B, N, L, S, K, D = 16, 325, 12, 12, 30, 128
    return {
        "fushed_features": jax.random.normal(ks[0], (B, N, D), jnp.float32),
        "input_data": jax.random.normal(ks[1], (B, N, L), jnp.float32),
        "adj_mx_topk_index": jax.random.randint(ks[2], (B, N, K), 0, N),
        "W": _xavier(ks[3], (L, S)),
        "a": _xavier(ks[4], (2 * S, 1)),
    }


def reference(fushed_features, input_data, adj_mx_topk_index, W, a):
    # input_data.squeeze() is a no-op here (no size-1 dims)
    x = jnp.squeeze(input_data)
    wh = jnp.matmul(x, W)  # (B, N, S)
    B, N, S = wh.shape
    L = x.shape[-1]
    K = adj_mx_topk_index.shape[2]
    # GAT-style dense pairwise concat: (B, N, N, 2S)
    wh_x = jnp.broadcast_to(wh[:, :, None, :], (B, N, N, S))
    wh_y = jnp.broadcast_to(wh[:, None, :, :], (B, N, N, S))
    wh_concat = jnp.concatenate([wh_x, wh_y], axis=-1)
    # attention: (B, N, N); LeakyReLU slope = alpha = 0.5
    attention = jax.nn.leaky_relu(jnp.matmul(wh_concat, a), negative_slope=0.5)[..., 0]
    # gather top-k neighbor scores along dim 2 -> (B, N, K), softmax over neighbors
    attention_mask = jnp.take_along_axis(attention, adj_mx_topk_index, axis=2)
    attention_mask = jax.nn.softmax(attention_mask, axis=-1)
    # gather neighbor input sequences: (B, N, K, L)
    adj_seq = jnp.broadcast_to(adj_mx_topk_index[..., None], (B, N, K, L))
    input_expand = jnp.broadcast_to(x[:, None, :, :], (B, N, N, L))
    input_expand_topk = jnp.take_along_axis(input_expand, adj_seq, axis=2)
    output_data = attention_mask[..., None] * input_expand_topk  # (B, N, K, L)
    m = output_data.mean()
    return (output_data, m, m, m)

if __name__ == "__main__":
    import jax
    _d = setup_inputs()
    print(jax.jit(kernel)(*tuple(_d.values())))

</pallas_src>

<mosaic_0001>
#map = affine_map<(d0, d1) -> (0)>
module attributes {stable_mosaic.version = 14 : i64} {
  func.func @run(%arg0: i32, %arg1: i32, %arg2: memref<67584xf32, #tpu.memory_space<hbm>>, %arg3: memref<180224xi32, #tpu.memory_space<hbm>>, %arg4: memref<192xf32, #tpu.memory_space<hbm>>, %arg5: memref<192xf32, #tpu.memory_space<hbm>>, %arg6: memref<2027520xf32, #tpu.memory_space<hbm>>, %arg7: memref<512xf32, #tpu.memory_space<hbm>>, %arg8: memref<8064xf32, #tpu.memory_space<vmem>>, %arg9: memref<5632xi32, #tpu.memory_space<vmem>>, %arg10: memref<672xf32, #tpu.memory_space<vmem>>, %arg11: memref<256xf32, #tpu.memory_space<vmem>>, %arg12: memref<192xf32, #tpu.memory_space<vmem>>, %arg13: memref<192xf32, #tpu.memory_space<vmem>>, %arg14: memref<63360xf32, #tpu.memory_space<vmem>>, %arg15: memref<16xf32, #tpu.memory_space<vmem>>) attributes {dimension_semantics = [#tpu.dimension_semantics<core_parallel>, #tpu.dimension_semantics<subcore_parallel>], iteration_bounds = array<i64: 2, 16>, scalar_prefetch = 0 : i64, scratch_operands = 8 : i64, tpu.core_type = #tpu.core_type<sc_vector_subcore>, window_params = [{transform_indices = #map}, {transform_indices = #map}, {transform_indices = #map}, {transform_indices = #map}, {transform_indices = #map}, {transform_indices = #map}]} {
    %mul3A = arith.constant 2 : i32
    %mul3A_0 = arith.muli %arg1, %mul3A : i32
    %add3A = arith.addi %mul3A_0, %arg0 : i32
    %mul3A_1 = arith.constant 176 : i32
    %mul3A_2 = arith.muli %add3A, %mul3A_1 : i32
    %jit3A = arith.constant 325 : i32
    %div3A = arith.divsi %mul3A_2, %jit3A : i32
    %sign3A = arith.constant 0 : i32
    %sign3A_3 = arith.cmpi sgt, %mul3A_2, %sign3A : i32
    %sign3A_4 = arith.extui %sign3A_3 : i1 to i32
    %sign3A_5 = arith.constant 0 : i32
    %sign3A_6 = arith.cmpi slt, %mul3A_2, %sign3A_5 : i32
    %sign3A_7 = arith.extui %sign3A_6 : i1 to i32
    %sign3A_8 = arith.subi %sign3A_4, %sign3A_7 : i32
    %sign3A_9 = arith.constant 0 : i32
    %sign3A_10 = arith.cmpi sgt, %jit3A, %sign3A_9 : i32
    %sign3A_11 = arith.extui %sign3A_10 : i1 to i32
    %sign3A_12 = arith.constant 0 : i32
    %sign3A_13 = arith.cmpi slt, %jit3A, %sign3A_12 : i32
    %sign3A_14 = arith.extui %sign3A_13 : i1 to i32
    %sign3A_15 = arith.subi %sign3A_11, %sign3A_14 : i32
    %ne3A = arith.cmpi ne, %sign3A_8, %sign3A_15 : i32
    %rem3A = arith.remsi %mul3A_2, %jit3A : i32
    %ne3A_16 = arith.constant 0 : i32
    %ne3A_17 = arith.cmpi ne, %rem3A, %ne3A_16 : i32
    %and3A = arith.andi %ne3A, %ne3A_17 : i1
    %sub3A = arith.constant 1 : i32
    %sub3A_18 = arith.subi %div3A, %sub3A : i32
    %select_n3A = arith.select %and3A, %sub3A_18, %div3A : i32
    %mul3A_19 = arith.constant 325 : i32
    %mul3A_20 = arith.muli %select_n3A, %mul3A_19 : i32
    %and3A_21 = arith.constant -16 : i32
    %and3A_22 = arith.andi %mul3A_20, %and3A_21 : i32
    %min3A = arith.constant 4960 : i32
    %min3A_23 = arith.minsi %and3A_22, %min3A : i32
    %multiple_of3A = tpu.assume_multiple %min3A_23, 16 : i32
    %add3A_24 = arith.constant 0 : i32
    %add3A_25 = arith.addi %add3A_24, %multiple_of3A : i32
    "tpu.region"() ({
      %run_scoped3A = tpu.sem_alloc : memref<!tpu.dma_semaphore, #tpu.memory_space<semaphore_mem>>
      %dma_start3A = arith.constant 0 : i32
      %dma_start3A_927 = tpu.memref_slice %arg8[%dma_start3A] : memref<8064xf32, #tpu.memory_space<vmem>> -> memref<672xf32, #tpu.memory_space<vmem>>
      %dma_start3A_928 = tpu.memref_slice %arg2[%add3A_25] : memref<67584xf32, #tpu.memory_space<hbm>> -> memref<672xf32, #tpu.memory_space<hbm>>
      %dma_start3A_929 = arith.constant 0 : i32
      %dma_start3A_930 = tpu.memref_slice %arg8[%dma_start3A_929] : memref<8064xf32, #tpu.memory_space<vmem>> -> memref<672xf32, #tpu.memory_space<vmem>>
      %dma_start3A_931 = tpu.memref_slice %arg2[%add3A_25] : memref<67584xf32, #tpu.memory_space<hbm>> -> memref<672xf32, #tpu.memory_space<hbm>>
      tpu.enqueue_dma source(%dma_start3A_931 : memref<672xf32, #tpu.memory_space<hbm>>) target(%dma_start3A_930 : memref<672xf32, #tpu.memory_space<vmem>>) target_semaphore(%run_scoped3A : memref<!tpu.dma_semaphore, #tpu.memory_space<semaphore_mem>>)
      %dma_wait3A = arith.constant 0 : i32
      %dma_wait3A_932 = tpu.memref_slice %arg8[%dma_wait3A] : memref<8064xf32, #tpu.memory_space<vmem>> -> memref<672xf32, #tpu.memory_space<vmem>>
      %dma_wait3A_933 = tpu.memref_slice %arg2[%add3A_25] : memref<67584xf32, #tpu.memory_space<hbm>> -> memref<672xf32, #tpu.memory_space<hbm>>
      %dma_wait3A_934 = arith.constant 0 : i32
      %dma_wait3A_935 = tpu.memref_slice %arg8[%dma_wait3A_934] : memref<8064xf32, #tpu.memory_space<vmem>> -> memref<672xf32, #tpu.memory_space<vmem>>
      %dma_wait3A_936 = tpu.memref_slice %arg2[%add3A_25] : memref<67584xf32, #tpu.memory_space<hbm>> -> memref<672xf32, #tpu.memory_space<hbm>>
      tpu.wait_dma2 semaphore(%run_scoped3A : memref<!tpu.dma_semaphore, #tpu.memory_space<semaphore_mem>>) src(%dma_wait3A_936 : memref<672xf32, #tpu.memory_space<hbm>>) dst(%dma_wait3A_935 : memref<672xf32, #tpu.memory_space<vmem>>)
      tpu.yield
    }) : () -> ()
    %add3A_26 = arith.constant 5632 : i32
    %add3A_27 = arith.addi %add3A_26, %multiple_of3A : i32
    "tpu.region"() ({
      %run_scoped3A = tpu.sem_alloc : memref<!tpu.dma_semaphore, #tpu.memory_space<semaphore_mem>>
      %dma_start3A = arith.constant 672 : i32
      %dma_start3A_927 = tpu.memref_slice %arg8[%dma_start3A] : memref<8064xf32, #tpu.memory_space<vmem>> -> memref<672xf32, #tpu.memory_space<vmem>>
      %dma_start3A_928 = tpu.memref_slice %arg2[%add3A_27] : memref<67584xf32, #tpu.memory_space<hbm>> -> memref<672xf32, #tpu.memory_space<hbm>>
      %dma_start3A_929 = arith.constant 672 : i32
      %dma_start3A_930 = tpu.memref_slice %arg8[%dma_start3A_929] : memref<8064xf32, #tpu.memory_space<vmem>> -> memref<672xf32, #tpu.memory_space<vmem>>
      %dma_start3A_931 = tpu.memref_slice %arg2[%add3A_27] : memref<67584xf32, #tpu.memory_space<hbm>> -> memref<672xf32, #tpu.memory_space<hbm>>
      tpu.enqueue_dma source(%dma_start3A_931 : memref<672xf32, #tpu.memory_space<hbm>>) target(%dma_start3A_930 : memref<672xf32, #tpu.memory_space<vmem>>) target_semaphore(%run_scoped3A : memref<!tpu.dma_semaphore, #tpu.memory_space<semaphore_mem>>)
      %dma_wait3A = arith.constant 672 : i32
      %dma_wait3A_932 = tpu.memref_slice %arg8[%dma_wait3A] : memref<8064xf32, #tpu.memory_space<vmem>> -> memref<672xf32, #tpu.memory_space<vmem>>
      %dma_wait3A_933 = tpu.memref_slice %arg2[%add3A_27] : memref<67584xf32, #tpu.memory_space<hbm>> -> memref<672xf32, #tpu.memory_space<hbm>>
      %dma_wait3A_934 = arith.constant 672 : i32
      %dma_wait3A_935 = tpu.memref_slice %arg8[%dma_wait3A_934] : memref<8064xf32, #tpu.memory_space<vmem>> -> memref<672xf32, #tpu.memory_space<vmem>>
      %dma_wait3A_936 = tpu.memref_slice %arg2[%add3A_27] : memref<67584xf32, #tpu.memory_space<hbm>> -> memref<672xf32, #tpu.memory_space<hbm>>
      tpu.wait_dma2 semaphore(%run_scoped3A : memref<!tpu.dma_semaphore, #tpu.memory_space<semaphore_mem>>) src(%dma_wait3A_936 : memref<672xf32, #tpu.memory_space<hbm>>) dst(%dma_wait3A_935 : memref<672xf32, #tpu.memory_space<vmem>>)
      tpu.yield
    }) : () -> ()
    %add3A_28 = arith.constant 11264 : i32
    %add3A_29 = arith.addi %add3A_28, %multiple_of3A : i32
    "tpu.region"() ({
      %run_scoped3A = tpu.sem_alloc : memref<!tpu.dma_semaphore, #tpu.memory_space<semaphore_mem>>
      %dma_start3A = arith.constant 1344 : i32
      %dma_start3A_927 = tpu.memref_slice %arg8[%dma_start3A] : memref<8064xf32, #tpu.memory_space<vmem>> -> memref<672xf32, #tpu.memory_space<vmem>>
      %dma_start3A_928 = tpu.memref_slice %arg2[%add3A_29] : memref<67584xf32, #tpu.memory_space<hbm>> -> memref<672xf32, #tpu.memory_space<hbm>>
      %dma_start3A_929 = arith.constant 1344 : i32
      %dma_start3A_930 = tpu.memref_slice %arg8[%dma_start3A_929] : memref<8064xf32, #tpu.memory_space<vmem>> -> memref<672xf32, #tpu.memory_space<vmem>>
      %dma_start3A_931 = tpu.memref_slice %arg2[%add3A_29] : memref<67584xf32, #tpu.memory_space<hbm>> -> memref<672xf32, #tpu.memory_space<hbm>>
      tpu.enqueue_dma source(%dma_start3A_931 : memref<672xf32, #tpu.memory_space<hbm>>) target(%dma_start3A_930 : memref<672xf32, #tpu.memory_space<vmem>>) target_semaphore(%run_scoped3A : memref<!tpu.dma_semaphore, #tpu.memory_space<semaphore_mem>>)
      %dma_wait3A = arith.constant 1344 : i32
      %dma_wait3A_932 = tpu.memref_slice %arg8[%dma_wait3A] : memref<8064xf32, #tpu.memory_space<vmem>> -> memref<672xf32, #tpu.memory_space<vmem>>
      %dma_wait3A_933 = tpu.memref_slice %arg2[%add3A_29] : memref<67584xf32, #tpu.memory_space<hbm>> -> memref<672xf32, #tpu.memory_space<hbm>>
      %dma_wait3A_934 = arith.constant 1344 : i32
      %dma_wait3A_935 = tpu.memref_slice %arg8[%dma_wait3A_934] : memref<8064xf32, #tpu.memory_space<vmem>> -> memref<672xf32, #tpu.memory_space<vmem>>
      %dma_wait3A_936 = tpu.memref_slice %arg2[%add3A_29] : memref<67584xf32, #tpu.memory_space<hbm>> -> memref<672xf32, #tpu.memory_space<hbm>>
      tpu.wait_dma2 semaphore(%run_scoped3A : memref<!tpu.dma_semaphore, #tpu.memory_space<semaphore_mem>>) src(%dma_wait3A_936 : memref<672xf32, #tpu.memory_space<hbm>>) dst(%dma_wait3A_935 : memref<672xf32, #tpu.memory_space<vmem>>)
      tpu.yield
    }) : () -> ()
    %add3A_30 = arith.constant 16896 : i32
    %add3A_31 = arith.addi %add3A_30, %multiple_of3A : i32
    "tpu.region"() ({
      %run_scoped3A = tpu.sem_alloc : memref<!tpu.dma_semaphore, #tpu.memory_space<semaphore_mem>>
      %dma_start3A = arith.constant 2016 : i32
      %dma_start3A_927 = tpu.memref_slice %arg8[%dma_start3A] : memref<8064xf32, #tpu.memory_space<vmem>> -> memref<672xf32, #tpu.memory_space<vmem>>
      %dma_start3A_928 = tpu.memref_slice %arg2[%add3A_31] : memref<67584xf32, #tpu.memory_space<hbm>> -> memref<672xf32, #tpu.memory_space<hbm>>
      %dma_start3A_929 = arith.constant 2016 : i32
      %dma_start3A_930 = tpu.memref_slice %arg8[%dma_start3A_929] : memref<8064xf32, #tpu.memory_space<vmem>> -> memref<672xf32, #tpu.memory_space<vmem>>
      %dma_start3A_931 = tpu.memref_slice %arg2[%add3A_31] : memref<67584xf32, #tpu.memory_space<hbm>> -> memref<672xf32, #tpu.memory_space<hbm>>
      tpu.enqueue_dma source(%dma_start3A_931 : memref<672xf32, #tpu.memory_space<hbm>>) target(%dma_start3A_930 : memref<672xf32, #tpu.memory_space<vmem>>) target_semaphore(%run_scoped3A : memref<!tpu.dma_semaphore, #tpu.memory_space<semaphore_mem>>)
      %dma_wait3A = arith.constant 2016 : i32
      %dma_wait3A_932 = tpu.memref_slice %arg8[%dma_wait3A] : memref<8064xf32, #tpu.memory_space<vmem>> -> memref<672xf32, #tpu.memory_space<vmem>>
      %dma_wait3A_933 = tpu.memref_slice %arg2[%add3A_31] : memref<67584xf32, #tpu.memory_space<hbm>> -> memref<672xf32, #tpu.memory_space<hbm>>
      %dma_wait3A_934 = arith.constant 2016 : i32
      %dma_wait3A_935 = tpu.memref_slice %arg8[%dma_wait3A_934] : memref<8064xf32, #tpu.memory_space<vmem>> -> memref<672xf32, #tpu.memory_space<vmem>>
      %dma_wait3A_936 = tpu.memref_slice %arg2[%add3A_31] : memref<67584xf32, #tpu.memory_space<hbm>> -> memref<672xf32, #tpu.memory_space<hbm>>
      tpu.wait_dma2 semaphore(%run_scoped3A : memref<!tpu.dma_semaphore, #tpu.memory_space<semaphore_mem>>) src(%dma_wait3A_936 : memref<672xf32, #tpu.memory_space<hbm>>) dst(%dma_wait3A_935 : memref<672xf32, #tpu.memory_space<vmem>>)
      tpu.yield
    }) : () -> ()
    %add3A_32 = arith.constant 22528 : i32
    %add3A_33 = arith.addi %add3A_32, %multiple_of3A : i32
    "tpu.region"() ({
      %run_scoped3A = tpu.sem_alloc : memref<!tpu.dma_semaphore, #tpu.memory_space<semaphore_mem>>
      %dma_start3A = arith.constant 2688 : i32
      %dma_start3A_927 = tpu.memref_slice %arg8[%dma_start3A] : memref<8064xf32, #tpu.memory_space<vmem>> -> memref<672xf32, #tpu.memory_space<vmem>>
      %dma_start3A_928 = tpu.memref_slice %arg2[%add3A_33] : memref<67584xf32, #tpu.memory_space<hbm>> -> memref<672xf32, #tpu.memory_space<hbm>>
      %dma_start3A_929 = arith.constant 2688 : i32
      %dma_start3A_930 = tpu.memref_slice %arg8[%dma_start3A_929] : memref<8064xf32, #tpu.memory_space<vmem>> -> memref<672xf32, #tpu.memory_space<vmem>>
      %dma_start3A_931 = tpu.memref_slice %arg2[%add3A_33] : memref<67584xf32, #tpu.memory_space<hbm>> -> memref<672xf32, #tpu.memory_space<hbm>>
      tpu.enqueue_dma source(%dma_start3A_931 : memref<672xf32, #tpu.memory_space<hbm>>) target(%dma_start3A_930 : memref<672xf32, #tpu.memory_space<vmem>>) target_semaphore(%run_scoped3A : memref<!tpu.dma_semaphore, #tpu.memory_space<semaphore_mem>>)
      %dma_wait3A = arith.constant 2688 : i32
      %dma_wait3A_932 = tpu.memref_slice %arg8[%dma_wait3A] : memref<8064xf32, #tpu.memory_space<vmem>> -> memref<672xf32, #tpu.memory_space<vmem>>
      %dma_wait3A_933 = tpu.memref_slice %arg2[%add3A_33] : memref<67584xf32, #tpu.memory_space<hbm>> -> memref<672xf32, #tpu.memory_space<hbm>>
      %dma_wait3A_934 = arith.constant 2688 : i32
      %dma_wait3A_935 = tpu.memref_slice %arg8[%dma_wait3A_934] : memref<8064xf32, #tpu.memory_space<vmem>> -> memref<672xf32, #tpu.memory_space<vmem>>
      %dma_wait3A_936 = tpu.memref_slice %arg2[%add3A_33] : memref<67584xf32, #tpu.memory_space<hbm>> -> memref<672xf32, #tpu.memory_space<hbm>>
      tpu.wait_dma2 semaphore(%run_scoped3A : memref<!tpu.dma_semaphore, #tpu.memory_space<semaphore_mem>>) src(%dma_wait3A_936 : memref<672xf32, #tpu.memory_space<hbm>>) dst(%dma_wait3A_935 : memref<672xf32, #tpu.memory_space<vmem>>)
      tpu.yield
    }) : () -> ()
    %add3A_34 = arith.constant 28160 : i32
    %add3A_35 = arith.addi %add3A_34, %multiple_of3A : i32
    "tpu.region"() ({
      %run_scoped3A = tpu.sem_alloc : memref<!tpu.dma_semaphore, #tpu.memory_space<semaphore_mem>>
      %dma_start3A = arith.constant 3360 : i32
      %dma_start3A_927 = tpu.memref_slice %arg8[%dma_start3A] : memref<8064xf32, #tpu.memory_space<vmem>> -> memref<672xf32, #tpu.memory_space<vmem>>
      %dma_start3A_928 = tpu.memref_slice %arg2[%add3A_35] : memref<67584xf32, #tpu.memory_space<hbm>> -> memref<672xf32, #tpu.memory_space<hbm>>
      %dma_start3A_929 = arith.constant 3360 : i32
      %dma_start3A_930 = tpu.memref_slice %arg8[%dma_start3A_929] : memref<8064xf32, #tpu.memory_space<vmem>> -> memref<672xf32, #tpu.memory_space<vmem>>
      %dma_start3A_931 = tpu.memref_slice %arg2[%add3A_35] : memref<67584xf32, #tpu.memory_space<hbm>> -> memref<672xf32, #tpu.memory_space<hbm>>
      tpu.enqueue_dma source(%dma_start3A_931 : memref<672xf32, #tpu.memory_space<hbm>>) target(%dma_start3A_930 : memref<672xf32, #tpu.memory_space<vmem>>) target_semaphore(%run_scoped3A : memref<!tpu.dma_semaphore, #tpu.memory_space<semaphore_mem>>)
      %dma_wait3A = arith.constant 3360 : i32
      %dma_wait3A_932 = tpu.memref_slice %arg8[%dma_wait3A] : memref<8064xf32, #tpu.memory_space<vmem>> -> memref<672xf32, #tpu.memory_space<vmem>>
      %dma_wait3A_933 = tpu.memref_slice %arg2[%add3A_35] : memref<67584xf32, #tpu.memory_space<hbm>> -> memref<672xf32, #tpu.memory_space<hbm>>
      %dma_wait3A_934 = arith.constant 3360 : i32
      %dma_wait3A_935 = tpu.memref_slice %arg8[%dma_wait3A_934] : memref<8064xf32, #tpu.memory_space<vmem>> -> memref<672xf32, #tpu.memory_space<vmem>>
      %dma_wait3A_936 = tpu.memref_slice %arg2[%add3A_35] : memref<67584xf32, #tpu.memory_space<hbm>> -> memref<672xf32, #tpu.memory_space<hbm>>
      tpu.wait_dma2 semaphore(%run_scoped3A : memref<!tpu.dma_semaphore, #tpu.memory_space<semaphore_mem>>) src(%dma_wait3A_936 : memref<672xf32, #tpu.memory_space<hbm>>) dst(%dma_wait3A_935 : memref<672xf32, #tpu.memory_space<vmem>>)
      tpu.yield
    }) : () -> ()
    %add3A_36 = arith.constant 33792 : i32
    %add3A_37 = arith.addi %add3A_36, %multiple_of3A : i32
    "tpu.region"() ({
      %run_scoped3A = tpu.sem_alloc : memref<!tpu.dma_semaphore, #tpu.memory_space<semaphore_mem>>
      %dma_start3A = arith.constant 4032 : i32
      %dma_start3A_927 = tpu.memref_slice %arg8[%dma_start3A] : memref<8064xf32, #tpu.memory_space<vmem>> -> memref<672xf32, #tpu.memory_space<vmem>>
      %dma_start3A_928 = tpu.memref_slice %arg2[%add3A_37] : memref<67584xf32, #tpu.memory_space<hbm>> -> memref<672xf32, #tpu.memory_space<hbm>>
      %dma_start3A_929 = arith.constant 4032 : i32
      %dma_start3A_930 = tpu.memref_slice %arg8[%dma_start3A_929] : memref<8064xf32, #tpu.memory_space<vmem>> -> memref<672xf32, #tpu.memory_space<vmem>>
      %dma_start3A_931 = tpu.memref_slice %arg2[%add3A_37] : memref<67584xf32, #tpu.memory_space<hbm>> -> memref<672xf32, #tpu.memory_space<hbm>>
      tpu.enqueue_dma source(%dma_start3A_931 : memref<672xf32, #tpu.memory_space<hbm>>) target(%dma_start3A_930 : memref<672xf32, #tpu.memory_space<vmem>>) target_semaphore(%run_scoped3A : memref<!tpu.dma_semaphore, #tpu.memory_space<semaphore_mem>>)
      %dma_wait3A = arith.constant 4032 : i32
      %dma_wait3A_932 = tpu.memref_slice %arg8[%dma_wait3A] : memref<8064xf32, #tpu.memory_space<vmem>> -> memref<672xf32, #tpu.memory_space<vmem>>
      %dma_wait3A_933 = tpu.memref_slice %arg2[%add3A_37] : memref<67584xf32, #tpu.memory_space<hbm>> -> memref<672xf32, #tpu.memory_space<hbm>>
      %dma_wait3A_934 = arith.constant 4032 : i32
      %dma_wait3A_935 = tpu.memref_slice %arg8[%dma_wait3A_934] : memref<8064xf32, #tpu.memory_space<vmem>> -> memref<672xf32, #tpu.memory_space<vmem>>
      %dma_wait3A_936 = tpu.memref_slice %arg2[%add3A_37] : memref<67584xf32, #tpu.memory_space<hbm>> -> memref<672xf32, #tpu.memory_space<hbm>>
      tpu.wait_dma2 semaphore(%run_scoped3A : memref<!tpu.dma_semaphore, #tpu.memory_space<semaphore_mem>>) src(%dma_wait3A_936 : memref<672xf32, #tpu.memory_space<hbm>>) dst(%dma_wait3A_935 : memref<672xf32, #tpu.memory_space<vmem>>)
      tpu.yield
    }) : () -> ()
    %add3A_38 = arith.constant 39424 : i32
    %add3A_39 = arith.addi %add3A_38, %multiple_of3A : i32
    "tpu.region"() ({
      %run_scoped3A = tpu.sem_alloc : memref<!tpu.dma_semaphore, #tpu.memory_space<semaphore_mem>>
      %dma_start3A = arith.constant 4704 : i32
      %dma_start3A_927 = tpu.memref_slice %arg8[%dma_start3A] : memref<8064xf32, #tpu.memory_space<vmem>> -> memref<672xf32, #tpu.memory_space<vmem>>
      %dma_start3A_928 = tpu.memref_slice %arg2[%add3A_39] : memref<67584xf32, #tpu.memory_space<hbm>> -> memref<672xf32, #tpu.memory_space<hbm>>
      %dma_start3A_929 = arith.constant 4704 : i32
      %dma_start3A_930 = tpu.memref_slice %arg8[%dma_start3A_929] : memref<8064xf32, #tpu.memory_space<vmem>> -> memref<672xf32, #tpu.memory_space<vmem>>
      %dma_start3A_931 = tpu.memref_slice %arg2[%add3A_39] : memref<67584xf32, #tpu.memory_space<hbm>> -> memref<672xf32, #tpu.memory_space<hbm>>
      tpu.enqueue_dma source(%dma_start3A_931 : memref<672xf32, #tpu.memory_space<hbm>>) target(%dma_start3A_930 : memref<672xf32, #tpu.memory_space<vmem>>) target_semaphore(%run_scoped3A : memref<!tpu.dma_semaphore, #tpu.memory_space<semaphore_mem>>)
      %dma_wait3A = arith.constant 4704 : i32
      %dma_wait3A_932 = tpu.memref_slice %arg8[%dma_wait3A] : memref<8064xf32, #tpu.memory_space<vmem>> -> memref<672xf32, #tpu.memory_space<vmem>>
      %dma_wait3A_933 = tpu.memref_slice %arg2[%add3A_39] : memref<67584xf32, #tpu.memory_space<hbm>> -> memref<672xf32, #tpu.memory_space<hbm>>
      %dma_wait3A_934 = arith.constant 4704 : i32
      %dma_wait3A_935 = tpu.memref_slice %arg8[%dma_wait3A_934] : memref<8064xf32, #tpu.memory_space<vmem>> -> memref<672xf32, #tpu.memory_space<vmem>>
      %dma_wait3A_936 = tpu.memref_slice %arg2[%add3A_39] : memref<67584xf32, #tpu.memory_space<hbm>> -> memref<672xf32, #tpu.memory_space<hbm>>
      tpu.wait_dma2 semaphore(%run_scoped3A : memref<!tpu.dma_semaphore, #tpu.memory_space<semaphore_mem>>) src(%dma_wait3A_936 : memref<672xf32, #tpu.memory_space<hbm>>) dst(%dma_wait3A_935 : memref<672xf32, #tpu.memory_space<vmem>>)
      tpu.yield
    }) : () -> ()
    %add3A_40 = arith.constant 45056 : i32
    %add3A_41 = arith.addi %add3A_40, %multiple_of3A : i32
    "tpu.region"() ({
      %run_scoped3A = tpu.sem_alloc : memref<!tpu.dma_semaphore, #tpu.memory_space<semaphore_mem>>
      %dma_start3A = arith.constant 5376 : i32
      %dma_start3A_927 = tpu.memref_slice %arg8[%dma_start3A] : memref<8064xf32, #tpu.memory_space<vmem>> -> memref<672xf32, #tpu.memory_space<vmem>>
      %dma_start3A_928 = tpu.memref_slice %arg2[%add3A_41] : memref<67584xf32, #tpu.memory_space<hbm>> -> memref<672xf32, #tpu.memory_space<hbm>>
      %dma_start3A_929 = arith.constant 5376 : i32
      %dma_start3A_930 = tpu.memref_slice %arg8[%dma_start3A_929] : memref<8064xf32, #tpu.memory_space<vmem>> -> memref<672xf32, #tpu.memory_space<vmem>>
      %dma_start3A_931 = tpu.memref_slice %arg2[%add3A_41] : memref<67584xf32, #tpu.memory_space<hbm>> -> memref<672xf32, #tpu.memory_space<hbm>>
      tpu.enqueue_dma source(%dma_start3A_931 : memref<672xf32, #tpu.memory_space<hbm>>) target(%dma_start3A_930 : memref<672xf32, #tpu.memory_space<vmem>>) target_semaphore(%run_scoped3A : memref<!tpu.dma_semaphore, #tpu.memory_space<semaphore_mem>>)
      %dma_wait3A = arith.constant 5376 : i32
      %dma_wait3A_932 = tpu.memref_slice %arg8[%dma_wait3A] : memref<8064xf32, #tpu.memory_space<vmem>> -> memref<672xf32, #tpu.memory_space<vmem>>
      %dma_wait3A_933 = tpu.memref_slice %arg2[%add3A_41] : memref<67584xf32, #tpu.memory_space<hbm>> -> memref<672xf32, #tpu.memory_space<hbm>>
      %dma_wait3A_934 = arith.constant 5376 : i32
      %dma_wait3A_935 = tpu.memref_slice %arg8[%dma_wait3A_934] : memref<8064xf32, #tpu.memory_space<vmem>> -> memref<672xf32, #tpu.memory_space<vmem>>
      %dma_wait3A_936 = tpu.memref_slice %arg2[%add3A_41] : memref<67584xf32, #tpu.memory_space<hbm>> -> memref<672xf32, #tpu.memory_space<hbm>>
      tpu.wait_dma2 semaphore(%run_scoped3A : memref<!tpu.dma_semaphore, #tpu.memory_space<semaphore_mem>>) src(%dma_wait3A_936 : memref<672xf32, #tpu.memory_space<hbm>>) dst(%dma_wait3A_935 : memref<672xf32, #tpu.memory_space<vmem>>)
      tpu.yield
    }) : () -> ()
    %add3A_42 = arith.constant 50688 : i32
    %add3A_43 = arith.addi %add3A_42, %multiple_of3A : i32
    "tpu.region"() ({
      %run_scoped3A = tpu.sem_alloc : memref<!tpu.dma_semaphore, #tpu.memory_space<semaphore_mem>>
      %dma_start3A = arith.constant 6048 : i32
      %dma_start3A_927 = tpu.memref_slice %arg8[%dma_start3A] : memref<8064xf32, #tpu.memory_space<vmem>> -> memref<672xf32, #tpu.memory_space<vmem>>
      %dma_start3A_928 = tpu.memref_slice %arg2[%add3A_43] : memref<67584xf32, #tpu.memory_space<hbm>> -> memref<672xf32, #tpu.memory_space<hbm>>
      %dma_start3A_929 = arith.constant 6048 : i32
      %dma_start3A_930 = tpu.memref_slice %arg8[%dma_start3A_929] : memref<8064xf32, #tpu.memory_space<vmem>> -> memref<672xf32, #tpu.memory_space<vmem>>
      %dma_start3A_931 = tpu.memref_slice %arg2[%add3A_43] : memref<67584xf32, #tpu.memory_space<hbm>> -> memref<672xf32, #tpu.memory_space<hbm>>
      tpu.enqueue_dma source(%dma_start3A_931 : memref<672xf32, #tpu.memory_space<hbm>>) target(%dma_start3A_930 : memref<672xf32, #tpu.memory_space<vmem>>) target_semaphore(%run_scoped3A : memref<!tpu.dma_semaphore, #tpu.memory_space<semaphore_mem>>)
      %dma_wait3A = arith.constant 6048 : i32
      %dma_wait3A_932 = tpu.memref_slice %arg8[%dma_wait3A] : memref<8064xf32, #tpu.memory_space<vmem>> -> memref<672xf32, #tpu.memory_space<vmem>>
      %dma_wait3A_933 = tpu.memref_slice %arg2[%add3A_43] : memref<67584xf32, #tpu.memory_space<hbm>> -> memref<672xf32, #tpu.memory_space<hbm>>
      %dma_wait3A_934 = arith.constant 6048 : i32
      %dma_wait3A_935 = tpu.memref_slice %arg8[%dma_wait3A_934] : memref<8064xf32, #tpu.memory_space<vmem>> -> memref<672xf32, #tpu.memory_space<vmem>>
      %dma_wait3A_936 = tpu.memref_slice %arg2[%add3A_43] : memref<67584xf32, #tpu.memory_space<hbm>> -> memref<672xf32, #tpu.memory_space<hbm>>
      tpu.wait_dma2 semaphore(%run_scoped3A : memref<!tpu.dma_semaphore, #tpu.memory_space<semaphore_mem>>) src(%dma_wait3A_936 : memref<672xf32, #tpu.memory_space<hbm>>) dst(%dma_wait3A_935 : memref<672xf32, #tpu.memory_space<vmem>>)
      tpu.yield
    }) : () -> ()
    %add3A_44 = arith.constant 56320 : i32
    %add3A_45 = arith.addi %add3A_44, %multiple_of3A : i32
    "tpu.region"() ({
      %run_scoped3A = tpu.sem_alloc : memref<!tpu.dma_semaphore, #tpu.memory_space<semaphore_mem>>
      %dma_start3A = arith.constant 6720 : i32
      %dma_start3A_927 = tpu.memref_slice %arg8[%dma_start3A] : memref<8064xf32, #tpu.memory_space<vmem>> -> memref<672xf32, #tpu.memory_space<vmem>>
      %dma_start3A_928 = tpu.memref_slice %arg2[%add3A_45] : memref<67584xf32, #tpu.memory_space<hbm>> -> memref<672xf32, #tpu.memory_space<hbm>>
      %dma_start3A_929 = arith.constant 6720 : i32
      %dma_start3A_930 = tpu.memref_slice %arg8[%dma_start3A_929] : memref<8064xf32, #tpu.memory_space<vmem>> -> memref<672xf32, #tpu.memory_space<vmem>>
      %dma_start3A_931 = tpu.memref_slice %arg2[%add3A_45] : memref<67584xf32, #tpu.memory_space<hbm>> -> memref<672xf32, #tpu.memory_space<hbm>>
      tpu.enqueue_dma source(%dma_start3A_931 : memref<672xf32, #tpu.memory_space<hbm>>) target(%dma_start3A_930 : memref<672xf32, #tpu.memory_space<vmem>>) target_semaphore(%run_scoped3A : memref<!tpu.dma_semaphore, #tpu.memory_space<semaphore_mem>>)
      %dma_wait3A = arith.constant 6720 : i32
      %dma_wait3A_932 = tpu.memref_slice %arg8[%dma_wait3A] : memref<8064xf32, #tpu.memory_space<vmem>> -> memref<672xf32, #tpu.memory_space<vmem>>
      %dma_wait3A_933 = tpu.memref_slice %arg2[%add3A_45] : memref<67584xf32, #tpu.memory_space<hbm>> -> memref<672xf32, #tpu.memory_space<hbm>>
      %dma_wait3A_934 = arith.constant 6720 : i32
      %dma_wait3A_935 = tpu.memref_slice %arg8[%dma_wait3A_934] : memref<8064xf32, #tpu.memory_space<vmem>> -> memref<672xf32, #tpu.memory_space<vmem>>
      %dma_wait3A_936 = tpu.memref_slice %arg2[%add3A_45] : memref<67584xf32, #tpu.memory_space<hbm>> -> memref<672xf32, #tpu.memory_space<hbm>>
      tpu.wait_dma2 semaphore(%run_scoped3A : memref<!tpu.dma_semaphore, #tpu.memory_space<semaphore_mem>>) src(%dma_wait3A_936 : memref<672xf32, #tpu.memory_space<hbm>>) dst(%dma_wait3A_935 : memref<672xf32, #tpu.memory_space<vmem>>)
      tpu.yield
    }) : () -> ()
    %add3A_46 = arith.constant 61952 : i32
    %add3A_47 = arith.addi %add3A_46, %multiple_of3A : i32
    "tpu.region"() ({
      %run_scoped3A = tpu.sem_alloc : memref<!tpu.dma_semaphore, #tpu.memory_space<semaphore_mem>>
      %dma_start3A = arith.constant 7392 : i32
      %dma_start3A_927 = tpu.memref_slice %arg8[%dma_start3A] : memref<8064xf32, #tpu.memory_space<vmem>> -> memref<672xf32, #tpu.memory_space<vmem>>
      %dma_start3A_928 = tpu.memref_slice %arg2[%add3A_47] : memref<67584xf32, #tpu.memory_space<hbm>> -> memref<672xf32, #tpu.memory_space<hbm>>
      %dma_start3A_929 = arith.constant 7392 : i32
      %dma_start3A_930 = tpu.memref_slice %arg8[%dma_start3A_929] : memref<8064xf32, #tpu.memory_space<vmem>> -> memref<672xf32, #tpu.memory_space<vmem>>
      %dma_start3A_931 = tpu.memref_slice %arg2[%add3A_47] : memref<67584xf32, #tpu.memory_space<hbm>> -> memref<672xf32, #tpu.memory_space<hbm>>
      tpu.enqueue_dma source(%dma_start3A_931 : memref<672xf32, #tpu.memory_space<hbm>>) target(%dma_start3A_930 : memref<672xf32, #tpu.memory_space<vmem>>) target_semaphore(%run_scoped3A : memref<!tpu.dma_semaphore, #tpu.memory_space<semaphore_mem>>)
      %dma_wait3A = arith.constant 7392 : i32
      %dma_wait3A_932 = tpu.memref_slice %arg8[%dma_wait3A] : memref<8064xf32, #tpu.memory_space<vmem>> -> memref<672xf32, #tpu.memory_space<vmem>>
      %dma_wait3A_933 = tpu.memref_slice %arg2[%add3A_47] : memref<67584xf32, #tpu.memory_space<hbm>> -> memref<672xf32, #tpu.memory_space<hbm>>
      %dma_wait3A_934 = arith.constant 7392 : i32
      %dma_wait3A_935 = tpu.memref_slice %arg8[%dma_wait3A_934] : memref<8064xf32, #tpu.memory_space<vmem>> -> memref<672xf32, #tpu.memory_space<vmem>>
      %dma_wait3A_936 = tpu.memref_slice %arg2[%add3A_47] : memref<67584xf32, #tpu.memory_space<hbm>> -> memref<672xf32, #tpu.memory_space<hbm>>
      tpu.wait_dma2 semaphore(%run_scoped3A : memref<!tpu.dma_semaphore, #tpu.memory_space<semaphore_mem>>) src(%dma_wait3A_936 : memref<672xf32, #tpu.memory_space<hbm>>) dst(%dma_wait3A_935 : memref<672xf32, #tpu.memory_space<vmem>>)
      tpu.yield
    }) : () -> ()
    %mul3A_48 = arith.constant 32 : i32
    %mul3A_49 = arith.muli %mul3A_2, %mul3A_48 : i32
    "tpu.region"() ({
      %run_scoped3A = tpu.sem_alloc : memref<!tpu.dma_semaphore, #tpu.memory_space<semaphore_mem>>
      %dma_start3A = tpu.memref_slice %arg3[%mul3A_49] : memref<180224xi32, #tpu.memory_space<hbm>> -> memref<5632xi32, #tpu.memory_space<hbm>>
      %dma_start3A_927 = tpu.memref_slice %arg3[%mul3A_49] : memref<180224xi32, #tpu.memory_space<hbm>> -> memref<5632xi32, #tpu.memory_space<hbm>>
      tpu.enqueue_dma source(%dma_start3A_927 : memref<5632xi32, #tpu.memory_space<hbm>>) target(%arg9 : memref<5632xi32, #tpu.memory_space<vmem>>) target_semaphore(%run_scoped3A : memref<!tpu.dma_semaphore, #tpu.memory_space<semaphore_mem>>)
      %dma_wait3A = tpu.memref_slice %arg3[%mul3A_49] : memref<180224xi32, #tpu.memory_space<hbm>> -> memref<5632xi32, #tpu.memory_space<hbm>>
      %dma_wait3A_928 = tpu.memref_slice %arg3[%mul3A_49] : memref<180224xi32, #tpu.memory_space<hbm>> -> memref<5632xi32, #tpu.memory_space<hbm>>
      tpu.wait_dma2 semaphore(%run_scoped3A : memref<!tpu.dma_semaphore, #tpu.memory_space<semaphore_mem>>) src(%dma_wait3A_928 : memref<5632xi32, #tpu.memory_space<hbm>>) dst(%arg9 : memref<5632xi32, #tpu.memory_space<vmem>>)
      tpu.yield
    }) : () -> ()
    "tpu.region"() ({
      %run_scoped3A = tpu.sem_alloc : memref<!tpu.dma_semaphore, #tpu.memory_space<semaphore_mem>>
      tpu.enqueue_dma source(%arg4 : memref<192xf32, #tpu.memory_space<hbm>>) target(%arg12 : memref<192xf32, #tpu.memory_space<vmem>>) target_semaphore(%run_scoped3A : memref<!tpu.dma_semaphore, #tpu.memory_space<semaphore_mem>>)
      tpu.wait_dma2 semaphore(%run_scoped3A : memref<!tpu.dma_semaphore, #tpu.memory_space<semaphore_mem>>) src(%arg4 : memref<192xf32, #tpu.memory_space<hbm>>) dst(%arg12 : memref<192xf32, #tpu.memory_space<vmem>>)
      tpu.yield
    }) : () -> ()
    "tpu.region"() ({
      %run_scoped3A = tpu.sem_alloc : memref<!tpu.dma_semaphore, #tpu.memory_space<semaphore_mem>>
      tpu.enqueue_dma source(%arg5 : memref<192xf32, #tpu.memory_space<hbm>>) target(%arg13 : memref<192xf32, #tpu.memory_space<vmem>>) target_semaphore(%run_scoped3A : memref<!tpu.dma_semaphore, #tpu.memory_space<semaphore_mem>>)
      tpu.wait_dma2 semaphore(%run_scoped3A : memref<!tpu.dma_semaphore, #tpu.memory_space<semaphore_mem>>) src(%arg5 : memref<192xf32, #tpu.memory_space<hbm>>) dst(%arg13 : memref<192xf32, #tpu.memory_space<vmem>>)
      tpu.yield
    }) : () -> ()
    %get3A = arith.constant 0 : index
    %get3A_50 = tpu.vector_load %arg12[%get3A] {strides = array<i32>} : memref<192xf32, #tpu.memory_space<vmem>>, vector<16xf32>,
    %get3A_51 = arith.constant 16 : index
    %get3A_52 = tpu.vector_load %arg12[%get3A_51] {strides = array<i32>} : memref<192xf32, #tpu.memory_space<vmem>>, vector<16xf32>,
    %get3A_53 = arith.constant 32 : index
    %get3A_54 = tpu.vector_load %arg12[%get3A_53] {strides = array<i32>} : memref<192xf32, #tpu.memory_space<vmem>>, vector<16xf32>,
    %get3A_55 = arith.constant 48 : index
    %get3A_56 = tpu.vector_load %arg12[%get3A_55] {strides = array<i32>} : memref<192xf32, #tpu.memory_space<vmem>>, vector<16xf32>,
    %get3A_57 = arith.constant 64 : index
    %get3A_58 = tpu.vector_load %arg12[%get3A_57] {strides = array<i32>} : memref<192xf32, #tpu.memory_space<vmem>>, vector<16xf32>,
    %get3A_59 = arith.constant 80 : index
    %get3A_60 = tpu.vector_load %arg12[%get3A_59] {strides = array<i32>} : memref<192xf32, #tpu.memory_space<vmem>>, vector<16xf32>,
    %get3A_61 = arith.constant 96 : index
    %get3A_62 = tpu.vector_load %arg12[%get3A_61] {strides = array<i32>} : memref<192xf32, #tpu.memory_space<vmem>>, vector<16xf32>,
    %get3A_63 = arith.constant 112 : index
    %get3A_64 = tpu.vector_load %arg12[%get3A_63] {strides = array<i32>} : memref<192xf32, #tpu.memory_space<vmem>>, vector<16xf32>,
    %get3A_65 = arith.constant 128 : index
    %get3A_66 = tpu.vector_load %arg12[%get3A_65] {strides = array<i32>} : memref<192xf32, #tpu.memory_space<vmem>>, vector<16xf32>,
    %get3A_67 = arith.constant 144 : index
    %get3A_68 = tpu.vector_load %arg12[%get3A_67] {strides = array<i32>} : memref<192xf32, #tpu.memory_space<vmem>>, vector<16xf32>,
    %get3A_69 = arith.constant 160 : index
    %get3A_70 = tpu.vector_load %arg12[%get3A_69] {strides = array<i32>} : memref<192xf32, #tpu.memory_space<vmem>>, vector<16xf32>,
    %get3A_71 = arith.constant 176 : index
    %get3A_72 = tpu.vector_load %arg12[%get3A_71] {strides = array<i32>} : memref<192xf32, #tpu.memory_space<vmem>>, vector<16xf32>,
    %get3A_73 = arith.constant 0 : index
    %get3A_74 = tpu.vector_load %arg13[%get3A_73] {strides = array<i32>} : memref<192xf32, #tpu.memory_space<vmem>>, vector<16xf32>,
    %get3A_75 = arith.constant 16 : index
    %get3A_76 = tpu.vector_load %arg13[%get3A_75] {strides = array<i32>} : memref<192xf32, #tpu.memory_space<vmem>>, vector<16xf32>,
    %get3A_77 = arith.constant 32 : index
    %get3A_78 = tpu.vector_load %arg13[%get3A_77] {strides = array<i32>} : memref<192xf32, #tpu.memory_space<vmem>>, vector<16xf32>,
    %get3A_79 = arith.constant 48 : index
    %get3A_80 = tpu.vector_load %arg13[%get3A_79] {strides = array<i32>} : memref<192xf32, #tpu.memory_space<vmem>>, vector<16xf32>,
    %get3A_81 = arith.constant 64 : index
    %get3A_82 = tpu.vector_load %arg13[%get3A_81] {strides = array<i32>} : memref<192xf32, #tpu.memory_space<vmem>>, vector<16xf32>,
    %get3A_83 = arith.constant 80 : index
    %get3A_84 = tpu.vector_load %arg13[%get3A_83] {strides = array<i32>} : memref<192xf32, #tpu.memory_space<vmem>>, vector<16xf32>,
    %get3A_85 = arith.constant 96 : index
    %get3A_86 = tpu.vector_load %arg13[%get3A_85] {strides = array<i32>} : memref<192xf32, #tpu.memory_space<vmem>>, vector<16xf32>,
    %get3A_87 = arith.constant 112 : index
    %get3A_88 = tpu.vector_load %arg13[%get3A_87] {strides = array<i32>} : memref<192xf32, #tpu.memory_space<vmem>>, vector<16xf32>,
    %get3A_89 = arith.constant 128 : index
    %get3A_90 = tpu.vector_load %arg13[%get3A_89] {strides = array<i32>} : memref<192xf32, #tpu.memory_space<vmem>>, vector<16xf32>,
    %get3A_91 = arith.constant 144 : index
    %get3A_92 = tpu.vector_load %arg13[%get3A_91] {strides = array<i32>} : memref<192xf32, #tpu.memory_space<vmem>>, vector<16xf32>,
    %get3A_93 = arith.constant 160 : index
    %get3A_94 = tpu.vector_load %arg13[%get3A_93] {strides = array<i32>} : memref<192xf32, #tpu.memory_space<vmem>>, vector<16xf32>,
    %get3A_95 = arith.constant 176 : index
    %get3A_96 = tpu.vector_load %arg13[%get3A_95] {strides = array<i32>} : memref<192xf32, #tpu.memory_space<vmem>>, vector<16xf32>,
    %scan3A = arith.constant 0 : i32
    %scan3A_97 = arith.constant 42 : i32
    %scan3A_98 = arith.addi %scan3A, %scan3A_97 : i32
    %scan3A_99 = arith.constant 1 : i32
    scf.for %scan3A_927 = %scan3A to %scan3A_98 step %scan3A_99  : i32 {
      %mul3A_928 = arith.constant 1 : i32
      %mul3A_929 = arith.muli %scan3A_927, %mul3A_928 : i32
      %add3A_930 = arith.constant 0 : i32
      %add3A_931 = arith.addi %add3A_930, %mul3A_929 : i32
      %mul3A_932 = arith.constant 16 : i32
      %mul3A_933 = arith.muli %add3A_931, %mul3A_932 : i32
      %get3A_934 = arith.index_cast %mul3A_933 : i32 to index
      %get3A_935 = tpu.vector_load %arg8[%get3A_934] {strides = array<i32>} : memref<8064xf32, #tpu.memory_space<vmem>>, vector<16xf32>,
      %mul3A_936 = arith.mulf %get3A_935, %get3A_74 : vector<16xf32>
      %add3A_937 = arith.constant 672 : i32
      %add3A_938 = arith.addi %add3A_937, %mul3A_933 : i32
      %get3A_939 = arith.index_cast %add3A_938 : i32 to index
      %get3A_940 = tpu.vector_load %arg8[%get3A_939] {strides = array<i32>} : memref<8064xf32, #tpu.memory_space<vmem>>, vector<16xf32>,
      %mul3A_941 = arith.mulf %get3A_940, %get3A_76 : vector<16xf32>
      %add3A_942 = arith.addf %mul3A_936, %mul3A_941 : vector<16xf32>
      %add3A_943 = arith.constant 1344 : i32
      %add3A_944 = arith.addi %add3A_943, %mul3A_933 : i32
      %get3A_945 = arith.index_cast %add3A_944 : i32 to index
      %get3A_946 = tpu.vector_load %arg8[%get3A_945] {strides = array<i32>} : memref<8064xf32, #tpu.memory_space<vmem>>, vector<16xf32>,
      %mul3A_947 = arith.mulf %get3A_946, %get3A_78 : vector<16xf32>
      %add3A_948 = arith.addf %add3A_942, %mul3A_947 : vector<16xf32>
      %add3A_949 = arith.constant 2016 : i32
      %add3A_950 = arith.addi %add3A_949, %mul3A_933 : i32
      %get3A_951 = arith.index_cast %add3A_950 : i32 to index
      %get3A_952 = tpu.vector_load %arg8[%get3A_951] {strides = array<i32>} : memref<8064xf32, #tpu.memory_space<vmem>>, vector<16xf32>,
      %mul3A_953 = arith.mulf %get3A_952, %get3A_80 : vector<16xf32>
      %add3A_954 = arith.addf %add3A_948, %mul3A_953 : vector<16xf32>
      %add3A_955 = arith.constant 2688 : i32
      %add3A_956 = arith.addi %add3A_955, %mul3A_933 : i32
      %get3A_957 = arith.index_cast %add3A_956 : i32 to index
      %get3A_958 = tpu.vector_load %arg8[%get3A_957] {strides = array<i32>} : memref<8064xf32, #tpu.memory_space<vmem>>, vector<16xf32>,
      %mul3A_959 = arith.mulf %get3A_958, %get3A_82 : vector<16xf32>
      %add3A_960 = arith.addf %add3A_954, %mul3A_959 : vector<16xf32>
      %add3A_961 = arith.constant 3360 : i32
      %add3A_962 = arith.addi %add3A_961, %mul3A_933 : i32
      %get3A_963 = arith.index_cast %add3A_962 : i32 to index
      %get3A_964 = tpu.vector_load %arg8[%get3A_963] {strides = array<i32>} : memref<8064xf32, #tpu.memory_space<vmem>>, vector<16xf32>,
      %mul3A_965 = arith.mulf %get3A_964, %get3A_84 : vector<16xf32>
      %add3A_966 = arith.addf %add3A_960, %mul3A_965 : vector<16xf32>
      %add3A_967 = arith.constant 4032 : i32
      %add3A_968 = arith.addi %add3A_967, %mul3A_933 : i32
      %get3A_969 = arith.index_cast %add3A_968 : i32 to index
      %get3A_970 = tpu.vector_load %arg8[%get3A_969] {strides = array<i32>} : memref<8064xf32, #tpu.memory_space<vmem>>, vector<16xf32>,
      %mul3A_971 = arith.mulf %get3A_970, %get3A_86 : vector<16xf32>
      %add3A_972 = arith.addf %add3A_966, %mul3A_971 : vector<16xf32>
      %add3A_973 = arith.constant 4704 : i32
      %add3A_974 = arith.addi %add3A_973, %mul3A_933 : i32
      %get3A_975 = arith.index_cast %add3A_974 : i32 to index
      %get3A_976 = tpu.vector_load %arg8[%get3A_975] {strides = array<i32>} : memref<8064xf32, #tpu.memory_space<vmem>>, vector<16xf32>,
      %mul3A_977 = arith.mulf %get3A_976, %get3A_88 : vector<16xf32>
      %add3A_978 = arith.addf %add3A_972, %mul3A_977 : vector<16xf32>
      %add3A_979 = arith.constant 5376 : i32
      %add3A_980 = arith.addi %add3A_979, %mul3A_933 : i32
      %get3A_981 = arith.index_cast %add3A_980 : i32 to index
      %get3A_982 = tpu.vector_load %arg8[%get3A_981] {strides = array<i32>} : memref<8064xf32, #tpu.memory_space<vmem>>, vector<16xf32>,
      %mul3A_983 = arith.mulf %get3A_982, %get3A_90 : vector<16xf32>
      %add3A_984 = arith.addf %add3A_978, %mul3A_983 : vector<16xf32>
      %add3A_985 = arith.constant 6048 : i32
      %add3A_986 = arith.addi %add3A_985, %mul3A_933 : i32
      %get3A_987 = arith.index_cast %add3A_986 : i32 to index
      %get3A_988 = tpu.vector_load %arg8[%get3A_987] {strides = array<i32>} : memref<8064xf32, #tpu.memory_space<vmem>>, vector<16xf32>,
      %mul3A_989 = arith.mulf %get3A_988, %get3A_92 : vector<16xf32>
      %add3A_990 = arith.addf %add3A_984, %mul3A_989 : vector<16xf32>
      %add3A_991 = arith.constant 6720 : i32
      %add3A_992 = arith.addi %add3A_991, %mul3A_933 : i32
      %get3A_993 = arith.index_cast %add3A_992 : i32 to index
      %get3A_994 = tpu.vector_load %arg8[%get3A_993] {strides = array<i32>} : memref<8064xf32, #tpu.memory_space<vmem>>, vector<16xf32>,
      %mul3A_995 = arith.mulf %get3A_994, %get3A_94 : vector<16xf32>
      %add3A_996 = arith.addf %add3A_990, %mul3A_995 : vector<16xf32>
      %add3A_997 = arith.constant 7392 : i32
      %add3A_998 = arith.addi %add3A_997, %mul3A_933 : i32
      %get3A_999 = arith.index_cast %add3A_998 : i32 to index
      %get3A_1000 = tpu.vector_load %arg8[%get3A_999] {strides = array<i32>} : memref<8064xf32, #tpu.memory_space<vmem>>, vector<16xf32>,
      %mul3A_1001 = arith.mulf %get3A_1000, %get3A_96 : vector<16xf32>
      %add3A_1002 = arith.addf %add3A_996, %mul3A_1001 : vector<16xf32>
      %swap3A_1003 = arith.index_cast %mul3A_933 : i32 to index
      %swap3A_1004 = tpu.vector_load %arg10[%swap3A_1003] {strides = array<i32>} : memref<672xf32, #tpu.memory_space<vmem>>, vector<16xf32>,
      tpu.vector_store %arg10[%swap3A_1003], %add3A_1002 {strides = array<i32>} : memref<672xf32, #tpu.memory_space<vmem>>, vector<16xf32>,
    }
    %scan3A_100 = arith.constant 42 : i32
    %sub3A_101 = arith.subi %mul3A_2, %multiple_of3A : i32
    %add3A_102 = arith.constant 0 : i32
    %add3A_103 = arith.addi %sub3A_101, %add3A_102 : i32
    %get3A_104 = arith.index_cast %add3A_103 : i32 to index
    %get3A_105 = tpu.vector_load %arg8[%get3A_104] {strides = array<i32>} : memref<8064xf32, #tpu.memory_space<vmem>>, vector<16xf32>,
    %mul3A_106 = arith.mulf %get3A_105, %get3A_50 : vector<16xf32>
    %add3A_107 = arith.constant 672 : i32
    %add3A_108 = arith.addi %add3A_107, %add3A_103 : i32
    %get3A_109 = arith.index_cast %add3A_108 : i32 to index
    %get3A_110 = tpu.vector_load %arg8[%get3A_109] {strides = array<i32>} : memref<8064xf32, #tpu.memory_space<vmem>>, vector<16xf32>,
    %mul3A_111 = arith.mulf %get3A_110, %get3A_52 : vector<16xf32>
    %add3A_112 = arith.addf %mul3A_106, %mul3A_111 : vector<16xf32>
    %add3A_113 = arith.constant 1344 : i32
    %add3A_114 = arith.addi %add3A_113, %add3A_103 : i32
    %get3A_115 = arith.index_cast %add3A_114 : i32 to index
    %get3A_116 = tpu.vector_load %arg8[%get3A_115] {strides = array<i32>} : memref<8064xf32, #tpu.memory_space<vmem>>, vector<16xf32>,
    %mul3A_117 = arith.mulf %get3A_116, %get3A_54 : vector<16xf32>
    %add3A_118 = arith.addf %add3A_112, %mul3A_117 : vector<16xf32>
    %add3A_119 = arith.constant 2016 : i32
    %add3A_120 = arith.addi %add3A_119, %add3A_103 : i32
    %get3A_121 = arith.index_cast %add3A_120 : i32 to index
    %get3A_122 = tpu.vector_load %arg8[%get3A_121] {strides = array<i32>} : memref<8064xf32, #tpu.memory_space<vmem>>, vector<16xf32>,
    %mul3A_123 = arith.mulf %get3A_122, %get3A_56 : vector<16xf32>
    %add3A_124 = arith.addf %add3A_118, %mul3A_123 : vector<16xf32>
    %add3A_125 = arith.constant 2688 : i32
    %add3A_126 = arith.addi %add3A_125, %add3A_103 : i32
    %get3A_127 = arith.index_cast %add3A_126 : i32 to index
    %get3A_128 = tpu.vector_load %arg8[%get3A_127] {strides = array<i32>} : memref<8064xf32, #tpu.memory_space<vmem>>, vector<16xf32>,
    %mul3A_129 = arith.mulf %get3A_128, %get3A_58 : vector<16xf32>
    %add3A_130 = arith.addf %add3A_124, %mul3A_129 : vector<16xf32>
    %add3A_131 = arith.constant 3360 : i32
    %add3A_132 = arith.addi %add3A_131, %add3A_103 : i32
    %get3A_133 = arith.index_cast %add3A_132 : i32 to index
    %get3A_134 = tpu.vector_load %arg8[%get3A_133] {strides = array<i32>} : memref<8064xf32, #tpu.memory_space<vmem>>, vector<16xf32>,
    %mul3A_135 = arith.mulf %get3A_134, %get3A_60 : vector<16xf32>
    %add3A_136 = arith.addf %add3A_130, %mul3A_135 : vector<16xf32>
    %add3A_137 = arith.constant 4032 : i32
    %add3A_138 = arith.addi %add3A_137, %add3A_103 : i32
    %get3A_139 = arith.index_cast %add3A_138 : i32 to index
    %get3A_140 = tpu.vector_load %arg8[%get3A_139] {strides = array<i32>} : memref<8064xf32, #tpu.memory_space<vmem>>, vector<16xf32>,
    %mul3A_141 = arith.mulf %get3A_140, %get3A_62 : vector<16xf32>
    %add3A_142 = arith.addf %add3A_136, %mul3A_141 : vector<16xf32>
    %add3A_143 = arith.constant 4704 : i32
    %add3A_144 = arith.addi %add3A_143, %add3A_103 : i32
    %get3A_145 = arith.index_cast %add3A_144 : i32 to index
    %get3A_146 = tpu.vector_load %arg8[%get3A_145] {strides = array<i32>} : memref<8064xf32, #tpu.memory_space<vmem>>, vector<16xf32>,
    %mul3A_147 = arith.mulf %get3A_146, %get3A_64 : vector<16xf32>
    %add3A_148 = arith.addf %add3A_142, %mul3A_147 : vector<16xf32>
    %add3A_149 = arith.constant 5376 : i32
    %add3A_150 = arith.addi %add3A_149, %add3A_103 : i32
    %get3A_151 = arith.index_cast %add3A_150 : i32 to index
    %get3A_152 = tpu.vector_load %arg8[%get3A_151] {strides = array<i32>} : memref<8064xf32, #tpu.memory_space<vmem>>, vector<16xf32>,
    %mul3A_153 = arith.mulf %get3A_152, %get3A_66 : vector<16xf32>
    %add3A_154 = arith.addf %add3A_148, %mul3A_153 : vector<16xf32>
    %add3A_155 = arith.constant 6048 : i32
    %add3A_156 = arith.addi %add3A_155, %add3A_103 : i32
    %get3A_157 = arith.index_cast %add3A_156 : i32 to index
    %get3A_158 = tpu.vector_load %arg8[%get3A_157] {strides = array<i32>} : memref<8064xf32, #tpu.memory_space<vmem>>, vector<16xf32>,
    %mul3A_159 = arith.mulf %get3A_158, %get3A_68 : vector<16xf32>
    %add3A_160 = arith.addf %add3A_154, %mul3A_159 : vector<16xf32>
    %add3A_161 = arith.constant 6720 : i32
    %add3A_162 = arith.addi %add3A_161, %add3A_103 : i32
    %get3A_163 = arith.index_cast %add3A_162 : i32 to index
    %get3A_164 = tpu.vector_load %arg8[%get3A_163] {strides = array<i32>} : memref<8064xf32, #tpu.memory_space<vmem>>, vector<16xf32>,
    %mul3A_165 = arith.mulf %get3A_164, %get3A_70 : vector<16xf32>
    %add3A_166 = arith.addf %add3A_160, %mul3A_165 : vector<16xf32>
    %add3A_167 = arith.constant 7392 : i32
    %add3A_168 = arith.addi %add3A_167, %add3A_103 : i32
    %get3A_169 = arith.index_cast %add3A_168 : i32 to index
    %get3A_170 = tpu.vector_load %arg8[%get3A_169] {strides = array<i32>} : memref<8064xf32, #tpu.memory_space<vmem>>, vector<16xf32>,
    %mul3A_171 = arith.mulf %get3A_170, %get3A_72 : vector<16xf32>
    %add3A_172 = arith.addf %add3A_166, %mul3A_171 : vector<16xf32>
    %swap3A = arith.constant 0 : index
    %swap3A_173 = tpu.vector_load %arg11[%swap3A] {strides = array<i32>} : memref<256xf32, #tpu.memory_space<vmem>>, vector<16xf32>,
    tpu.vector_store %arg11[%swap3A], %add3A_172 {strides = array<i32>} : memref<256xf32, #tpu.memory_space<vmem>>, vector<16xf32>,
    %add3A_174 = arith.constant 16 : i32
    %add3A_175 = arith.addi %sub3A_101, %add3A_174 : i32
    %get3A_176 = arith.index_cast %add3A_175 : i32 to index
    %get3A_177 = tpu.vector_load %arg8[%get3A_176] {strides = array<i32>} : memref<8064xf32, #tpu.memory_space<vmem>>, vector<16xf32>,
    %mul3A_178 = arith.mulf %get3A_177, %get3A_50 : vector<16xf32>
    %add3A_179 = arith.constant 672 : i32
    %add3A_180 = arith.addi %add3A_179, %add3A_175 : i32
    %get3A_181 = arith.index_cast %add3A_180 : i32 to index
    %get3A_182 = tpu.vector_load %arg8[%get3A_181] {strides = array<i32>} : memref<8064xf32, #tpu.memory_space<vmem>>, vector<16xf32>,
    %mul3A_183 = arith.mulf %get3A_182, %get3A_52 : vector<16xf32>
    %add3A_184 = arith.addf %mul3A_178, %mul3A_183 : vector<16xf32>
    %add3A_185 = arith.constant 1344 : i32
    %add3A_186 = arith.addi %add3A_185, %add3A_175 : i32
    %get3A_187 = arith.index_cast %add3A_186 : i32 to index
    %get3A_188 = tpu.vector_load %arg8[%get3A_187] {strides = array<i32>} : memref<8064xf32, #tpu.memory_space<vmem>>, vector<16xf32>,
    %mul3A_189 = arith.mulf %get3A_188, %get3A_54 : vector<16xf32>
    %add3A_190 = arith.addf %add3A_184, %mul3A_189 : vector<16xf32>
    %add3A_191 = arith.constant 2016 : i32
    %add3A_192 = arith.addi %add3A_191, %add3A_175 : i32
    %get3A_193 = arith.index_cast %add3A_192 : i32 to index
    %get3A_194 = tpu.vector_load %arg8[%get3A_193] {strides = array<i32>} : memref<8064xf32, #tpu.memory_space<vmem>>, vector<16xf32>,
    %mul3A_195 = arith.mulf %get3A_194, %get3A_56 : vector<16xf32>
    %add3A_196 = arith.addf %add3A_190, %mul3A_195 : vector<16xf32>
    %add3A_197 = arith.constant 2688 : i32
    %add3A_198 = arith.addi %add3A_197, %add3A_175 : i32
    %get3A_199 = arith.index_cast %add3A_198 : i32 to index
    %get3A_200 = tpu.vector_load %arg8[%get3A_199] {strides = array<i32>} : memref<8064xf32, #tpu.memory_space<vmem>>, vector<16xf32>,
    %mul3A_201 = arith.mulf %get3A_200, %get3A_58 : vector<16xf32>
    %add3A_202 = arith.addf %add3A_196, %mul3A_201 : vector<16xf32>
    %add3A_203 = arith.constant 3360 : i32
    %add3A_204 = arith.addi %add3A_203, %add3A_175 : i32
    %get3A_205 = arith.index_cast %add3A_204 : i32 to index
    %get3A_206 = tpu.vector_load %arg8[%get3A_205] {strides = array<i32>} : memref<8064xf32, #tpu.memory_space<vmem>>, vector<16xf32>,
    %mul3A_207 = arith.mulf %get3A_206, %get3A_60 : vector<16xf32>
    %add3A_208 = arith.addf %add3A_202, %mul3A_207 : vector<16xf32>
    %add3A_209 = arith.constant 4032 : i32
    %add3A_210 = arith.addi %add3A_209, %add3A_175 : i32
    %get3A_211 = arith.index_cast %add3A_210 : i32 to index
    %get3A_212 = tpu.vector_load %arg8[%get3A_211] {strides = array<i32>} : memref<8064xf32, #tpu.memory_space<vmem>>, vector<16xf32>,
    %mul3A_213 = arith.mulf %get3A_212, %get3A_62 : vector<16xf32>
    %add3A_214 = arith.addf %add3A_208, %mul3A_213 : vector<16xf32>
    %add3A_215 = arith.constant 4704 : i32
    %add3A_216 = arith.addi %add3A_215, %add3A_175 : i32
    %get3A_217 = arith.index_cast %add3A_216 : i32 to index
    %get3A_218 = tpu.vector_load %arg8[%get3A_217] {strides = array<i32>} : memref<8064xf32, #tpu.memory_space<vmem>>, vector<16xf32>,
    %mul3A_219 = arith.mulf %get3A_218, %get3A_64 : vector<16xf32>
    %add3A_220 = arith.addf %add3A_214, %mul3A_219 : vector<16xf32>
    %add3A_221 = arith.constant 5376 : i32
    %add3A_222 = arith.addi %add3A_221, %add3A_175 : i32
    %get3A_223 = arith.index_cast %add3A_222 : i32 to index
    %get3A_224 = tpu.vector_load %arg8[%get3A_223] {strides = array<i32>} : memref<8064xf32, #tpu.memory_space<vmem>>, vector<16xf32>,
    %mul3A_225 = arith.mulf %get3A_224, %get3A_66 : vector<16xf32>
    %add3A_226 = arith.addf %add3A_220, %mul3A_225 : vector<16xf32>
    %add3A_227 = arith.constant 6048 : i32
    %add3A_228 = arith.addi %add3A_227, %add3A_175 : i32
    %get3A_229 = arith.index_cast %add3A_228 : i32 to index
    %get3A_230 = tpu.vector_load %arg8[%get3A_229] {strides = array<i32>} : memref<8064xf32, #tpu.memory_space<vmem>>, vector<16xf32>,
    %mul3A_231 = arith.mulf %get3A_230, %get3A_68 : vector<16xf32>
    %add3A_232 = arith.addf %add3A_226, %mul3A_231 : vector<16xf32>
    %add3A_233 = arith.constant 6720 : i32
    %add3A_234 = arith.addi %add3A_233, %add3A_175 : i32
    %get3A_235 = arith.index_cast %add3A_234 : i32 to index
    %get3A_236 = tpu.vector_load %arg8[%get3A_235] {strides = array<i32>} : memref<8064xf32, #tpu.memory_space<vmem>>, vector<16xf32>,
    %mul3A_237 = arith.mulf %get3A_236, %get3A_70 : vector<16xf32>
    %add3A_238 = arith.addf %add3A_232, %mul3A_237 : vector<16xf32>
    %add3A_239 = arith.constant 7392 : i32
    %add3A_240 = arith.addi %add3A_239, %add3A_175 : i32
    %get3A_241 = arith.index_cast %add3A_240 : i32 to index
    %get3A_242 = tpu.vector_load %arg8[%get3A_241] {strides = array<i32>} : memref<8064xf32, #tpu.memory_space<vmem>>, vector<16xf32>,
    %mul3A_243 = arith.mulf %get3A_242, %get3A_72 : vector<16xf32>
    %add3A_244 = arith.addf %add3A_238, %mul3A_243 : vector<16xf32>
    %swap3A_245 = arith.constant 16 : index
    %swap3A_246 = tpu.vector_load %arg11[%swap3A_245] {strides = array<i32>} : memref<256xf32, #tpu.memory_space<vmem>>, vector<16xf32>,
    tpu.vector_store %arg11[%swap3A_245], %add3A_244 {strides = array<i32>} : memref<256xf32, #tpu.memory_space<vmem>>, vector<16xf32>,
    %add3A_247 = arith.constant 32 : i32
    %add3A_248 = arith.addi %sub3A_101, %add3A_247 : i32
    %get3A_249 = arith.index_cast %add3A_248 : i32 to index
    %get3A_250 = tpu.vector_load %arg8[%get3A_249] {strides = array<i32>} : memref<8064xf32, #tpu.memory_space<vmem>>, vector<16xf32>,
    %mul3A_251 = arith.mulf %get3A_250, %get3A_50 : vector<16xf32>
    %add3A_252 = arith.constant 672 : i32
    %add3A_253 = arith.addi %add3A_252, %add3A_248 : i32
    %get3A_254 = arith.index_cast %add3A_253 : i32 to index
    %get3A_255 = tpu.vector_load %arg8[%get3A_254] {strides = array<i32>} : memref<8064xf32, #tpu.memory_space<vmem>>, vector<16xf32>,
    %mul3A_256 = arith.mulf %get3A_255, %get3A_52 : vector<16xf32>
    %add3A_257 = arith.addf %mul3A_251, %mul3A_256 : vector<16xf32>
    %add3A_258 = arith.constant 1344 : i32
    %add3A_259 = arith.addi %add3A_258, %add3A_248 : i32
    %get3A_260 = arith.index_cast %add3A_259 : i32 to index
    %get3A_261 = tpu.vector_load %arg8[%get3A_260] {strides = array<i32>} : memref<8064xf32, #tpu.memory_space<vmem>>, vector<16xf32>,
    %mul3A_262 = arith.mulf %get3A_261, %get3A_54 : vector<16xf32>
    %add3A_263 = arith.addf %add3A_257, %mul3A_262 : vector<16xf32>
    %add3A_264 = arith.constant 2016 : i32
    %add3A_265 = arith.addi %add3A_264, %add3A_248 : i32
    %get3A_266 = arith.index_cast %add3A_265 : i32 to index
    %get3A_267 = tpu.vector_load %arg8[%get3A_266] {strides = array<i32>} : memref<8064xf32, #tpu.memory_space<vmem>>, vector<16xf32>,
    %mul3A_268 = arith.mulf %get3A_267, %get3A_56 : vector<16xf32>
    %add3A_269 = arith.addf %add3A_263, %mul3A_268 : vector<16xf32>
    %add3A_270 = arith.constant 2688 : i32
    %add3A_271 = arith.addi %add3A_270, %add3A_248 : i32
    %get3A_272 = arith.index_cast %add3A_271 : i32 to index
    %get3A_273 = tpu.vector_load %arg8[%get3A_272] {strides = array<i32>} : memref<8064xf32, #tpu.memory_space<vmem>>, vector<16xf32>,
    %mul3A_274 = arith.mulf %get3A_273, %get3A_58 : vector<16xf32>
    %add3A_275 = arith.addf %add3A_269, %mul3A_274 : vector<16xf32>
    %add3A_276 = arith.constant 3360 : i32
    %add3A_277 = arith.addi %add3A_276, %add3A_248 : i32
    %get3A_278 = arith.index_cast %add3A_277 : i32 to index
    %get3A_279 = tpu.vector_load %arg8[%get3A_278] {strides = array<i32>} : memref<8064xf32, #tpu.memory_space<vmem>>, vector<16xf32>,
    %mul3A_280 = arith.mulf %get3A_279, %get3A_60 : vector<16xf32>
    %add3A_281 = arith.addf %add3A_275, %mul3A_280 : vector<16xf32>
    %add3A_282 = arith.constant 4032 : i32
    %add3A_283 = arith.addi %add3A_282, %add3A_248 : i32
    %get3A_284 = arith.index_cast %add3A_283 : i32 to index
    %get3A_285 = tpu.vector_load %arg8[%get3A_284] {strides = array<i32>} : memref<8064xf32, #tpu.memory_space<vmem>>, vector<16xf32>,
    %mul3A_286 = arith.mulf %get3A_285, %get3A_62 : vector<16xf32>
    %add3A_287 = arith.addf %add3A_281, %mul3A_286 : vector<16xf32>
    %add3A_288 = arith.constant 4704 : i32
    %add3A_289 = arith.addi %add3A_288, %add3A_248 : i32
    %get3A_290 = arith.index_cast %add3A_289 : i32 to index
    %get3A_291 = tpu.vector_load %arg8[%get3A_290] {strides = array<i32>} : memref<8064xf32, #tpu.memory_space<vmem>>, vector<16xf32>,
    %mul3A_292 = arith.mulf %get3A_291, %get3A_64 : vector<16xf32>
    %add3A_293 = arith.addf %add3A_287, %mul3A_292 : vector<16xf32>
    %add3A_294 = arith.constant 5376 : i32
    %add3A_295 = arith.addi %add3A_294, %add3A_248 : i32
    %get3A_296 = arith.index_cast %add3A_295 : i32 to index
    %get3A_297 = tpu.vector_load %arg8[%get3A_296] {strides = array<i32>} : memref<8064xf32, #tpu.memory_space<vmem>>, vector<16xf32>,
    %mul3A_298 = arith.mulf %get3A_297, %get3A_66 : vector<16xf32>
    %add3A_299 = arith.addf %add3A_293, %mul3A_298 : vector<16xf32>
    %add3A_300 = arith.constant 6048 : i32
    %add3A_301 = arith.addi %add3A_300, %add3A_248 : i32
    %get3A_302 = arith.index_cast %add3A_301 : i32 to index
    %get3A_303 = tpu.vector_load %arg8[%get3A_302] {strides = array<i32>} : memref<8064xf32, #tpu.memory_space<vmem>>, vector<16xf32>,
    %mul3A_304 = arith.mulf %get3A_303, %get3A_68 : vector<16xf32>
    %add3A_305 = arith.addf %add3A_299, %mul3A_304 : vector<16xf32>
    %add3A_306 = arith.constant 6720 : i32
    %add3A_307 = arith.addi %add3A_306, %add3A_248 : i32
    %get3A_308 = arith.index_cast %add3A_307 : i32 to index
    %get3A_309 = tpu.vector_load %arg8[%get3A_308] {strides = array<i32>} : memref<8064xf32, #tpu.memory_space<vmem>>, vector<16xf32>,
    %mul3A_310 = arith.mulf %get3A_309, %get3A_70 : vector<16xf32>
    %add3A_311 = arith.addf %add3A_305, %mul3A_310 : vector<16xf32>
    %add3A_312 = arith.constant 7392 : i32
    %add3A_313 = arith.addi %add3A_312, %add3A_248 : i32
    %get3A_314 = arith.index_cast %add3A_313 : i32 to index
    %get3A_315 = tpu.vector_load %arg8[%get3A_314] {strides = array<i32>} : memref<8064xf32, #tpu.memory_space<vmem>>, vector<16xf32>,
    %mul3A_316 = arith.mulf %get3A_315, %get3A_72 : vector<16xf32>
    %add3A_317 = arith.addf %add3A_311, %mul3A_316 : vector<16xf32>
    %swap3A_318 = arith.constant 32 : index
    %swap3A_319 = tpu.vector_load %arg11[%swap3A_318] {strides = array<i32>} : memref<256xf32, #tpu.memory_space<vmem>>, vector<16xf32>,
    tpu.vector_store %arg11[%swap3A_318], %add3A_317 {strides = array<i32>} : memref<256xf32, #tpu.memory_space<vmem>>, vector<16xf32>,
    %add3A_320 = arith.constant 48 : i32
    %add3A_321 = arith.addi %sub3A_101, %add3A_320 : i32
    %get3A_322 = arith.index_cast %add3A_321 : i32 to index
    %get3A_323 = tpu.vector_load %arg8[%get3A_322] {strides = array<i32>} : memref<8064xf32, #tpu.memory_space<vmem>>, vector<16xf32>,
    %mul3A_324 = arith.mulf %get3A_323, %get3A_50 : vector<16xf32>
    %add3A_325 = arith.constant 672 : i32
    %add3A_326 = arith.addi %add3A_325, %add3A_321 : i32
    %get3A_327 = arith.index_cast %add3A_326 : i32 to index
    %get3A_328 = tpu.vector_load %arg8[%get3A_327] {strides = array<i32>} : memref<8064xf32, #tpu.memory_space<vmem>>, vector<16xf32>,
    %mul3A_329 = arith.mulf %get3A_328, %get3A_52 : vector<16xf32>
    %add3A_330 = arith.addf %mul3A_324, %mul3A_329 : vector<16xf32>
    %add3A_331 = arith.constant 1344 : i32
    %add3A_332 = arith.addi %add3A_331, %add3A_321 : i32
    %get3A_333 = arith.index_cast %add3A_332 : i32 to index
    %get3A_334 = tpu.vector_load %arg8[%get3A_333] {strides = array<i32>} : memref<8064xf32, #tpu.memory_space<vmem>>, vector<16xf32>,
    %mul3A_335 = arith.mulf %get3A_334, %get3A_54 : vector<16xf32>
    %add3A_336 = arith.addf %add3A_330, %mul3A_335 : vector<16xf32>
    %add3A_337 = arith.constant 2016 : i32
    %add3A_338 = arith.addi %add3A_337, %add3A_321 : i32
    %get3A_339 = arith.index_cast %add3A_338 : i32 to index
    %get3A_340 = tpu.vector_load %arg8[%get3A_339] {strides = array<i32>} : memref<8064xf32, #tpu.memory_space<vmem>>, vector<16xf32>,
    %mul3A_341 = arith.mulf %get3A_340, %get3A_56 : vector<16xf32>
    %add3A_342 = arith.addf %add3A_336, %mul3A_341 : vector<16xf32>
    %add3A_343 = arith.constant 2688 : i32
    %add3A_344 = arith.addi %add3A_343, %add3A_321 : i32
    %get3A_345 = arith.index_cast %add3A_344 : i32 to index
    %get3A_346 = tpu.vector_load %arg8[%get3A_345] {strides = array<i32>} : memref<8064xf32, #tpu.memory_space<vmem>>, vector<16xf32>,
    %mul3A_347 = arith.mulf %get3A_346, %get3A_58 : vector<16xf32>
    %add3A_348 = arith.addf %add3A_342, %mul3A_347 : vector<16xf32>
    %add3A_349 = arith.constant 3360 : i32
    %add3A_350 = arith.addi %add3A_349, %add3A_321 : i32
    %get3A_351 = arith.index_cast %add3A_350 : i32 to index
    %get3A_352 = tpu.vector_load %arg8[%get3A_351] {strides = array<i32>} : memref<8064xf32, #tpu.memory_space<vmem>>, vector<16xf32>,
    %mul3A_353 = arith.mulf %get3A_352, %get3A_60 : vector<16xf32>
    %add3A_354 = arith.addf %add3A_348, %mul3A_353 : vector<16xf32>
    %add3A_355 = arith.constant 4032 : i32
    %add3A_356 = arith.addi %add3A_355, %add3A_321 : i32
    %get3A_357 = arith.index_cast %add3A_356 : i32 to index
    %get3A_358 = tpu.vector_load %arg8[%get3A_357] {strides = array<i32>} : memref<8064xf32, #tpu.memory_space<vmem>>, vector<16xf32>,
    %mul3A_359 = arith.mulf %get3A_358, %get3A_62 : vector<16xf32>
    %add3A_360 = arith.addf %add3A_354, %mul3A_359 : vector<16xf32>
    %add3A_361 = arith.constant 4704 : i32
    %add3A_362 = arith.addi %add3A_361, %add3A_321 : i32
    %get3A_363 = arith.index_cast %add3A_362 : i32 to index
    %get3A_364 = tpu.vector_load %arg8[%get3A_363] {strides = array<i32>} : memref<8064xf32, #tpu.memory_space<vmem>>, vector<16xf32>,
    %mul3A_365 = arith.mulf %get3A_364, %get3A_64 : vector<16xf32>
    %add3A_366 = arith.addf %add3A_360, %mul3A_365 : vector<16xf32>
    %add3A_367 = arith.constant 5376 : i32
    %add3A_368 = arith.addi %add3A_367, %add3A_321 : i32
    %get3A_369 = arith.index_cast %add3A_368 : i32 to index
    %get3A_370 = tpu.vector_load %arg8[%get3A_369] {strides = array<i32>} : memref<8064xf32, #tpu.memory_space<vmem>>, vector<16xf32>,
    %mul3A_371 = arith.mulf %get3A_370, %get3A_66 : vector<16xf32>
    %add3A_372 = arith.addf %add3A_366, %mul3A_371 : vector<16xf32>
    %add3A_373 = arith.constant 6048 : i32
    %add3A_374 = arith.addi %add3A_373, %add3A_321 : i32
    %get3A_375 = arith.index_cast %add3A_374 : i32 to index
    %get3A_376 = tpu.vector_load %arg8[%get3A_375] {strides = array<i32>} : memref<8064xf32, #tpu.memory_space<vmem>>, vector<16xf32>,
    %mul3A_377 = arith.mulf %get3A_376, %get3A_68 : vector<16xf32>
    %add3A_378 = arith.addf %add3A_372, %mul3A_377 : vector<16xf32>
    %add3A_379 = arith.constant 6720 : i32
    %add3A_380 = arith.addi %add3A_379, %add3A_321 : i32
    %get3A_381 = arith.index_cast %add3A_380 : i32 to index
    %get3A_382 = tpu.vector_load %arg8[%get3A_381] {strides = array<i32>} : memref<8064xf32, #tpu.memory_space<vmem>>, vector<16xf32>,
    %mul3A_383 = arith.mulf %get3A_382, %get3A_70 : vector<16xf32>
    %add3A_384 = arith.addf %add3A_378, %mul3A_383 : vector<16xf32>
    %add3A_385 = arith.constant 7392 : i32
    %add3A_386 = arith.addi %add3A_385, %add3A_321 : i32
    %get3A_387 = arith.index_cast %add3A_386 : i32 to index
    %get3A_388 = tpu.vector_load %arg8[%get3A_387] {strides = array<i32>} : memref<8064xf32, #tpu.memory_space<vmem>>, vector<16xf32>,
    %mul3A_389 = arith.mulf %get3A_388, %get3A_72 : vector<16xf32>
    %add3A_390 = arith.addf %add3A_384, %mul3A_389 : vector<16xf32>
    %swap3A_391 = arith.constant 48 : index
    %swap3A_392 = tpu.vector_load %arg11[%swap3A_391] {strides = array<i32>} : memref<256xf32, #tpu.memory_space<vmem>>, vector<16xf32>,
    tpu.vector_store %arg11[%swap3A_391], %add3A_390 {strides = array<i32>} : memref<256xf32, #tpu.memory_space<vmem>>, vector<16xf32>,
    %add3A_393 = arith.constant 64 : i32
    %add3A_394 = arith.addi %sub3A_101, %add3A_393 : i32
    %get3A_395 = arith.index_cast %add3A_394 : i32 to index
    %get3A_396 = tpu.vector_load %arg8[%get3A_395] {strides = array<i32>} : memref<8064xf32, #tpu.memory_space<vmem>>, vector<16xf32>,
    %mul3A_397 = arith.mulf %get3A_396, %get3A_50 : vector<16xf32>
    %add3A_398 = arith.constant 672 : i32
    %add3A_399 = arith.addi %add3A_398, %add3A_394 : i32
    %get3A_400 = arith.index_cast %add3A_399 : i32 to index
    %get3A_401 = tpu.vector_load %arg8[%get3A_400] {strides = array<i32>} : memref<8064xf32, #tpu.memory_space<vmem>>, vector<16xf32>,
    %mul3A_402 = arith.mulf %get3A_401, %get3A_52 : vector<16xf32>
    %add3A_403 = arith.addf %mul3A_397, %mul3A_402 : vector<16xf32>
    %add3A_404 = arith.constant 1344 : i32
    %add3A_405 = arith.addi %add3A_404, %add3A_394 : i32
    %get3A_406 = arith.index_cast %add3A_405 : i32 to index
    %get3A_407 = tpu.vector_load %arg8[%get3A_406] {strides = array<i32>} : memref<8064xf32, #tpu.memory_space<vmem>>, vector<16xf32>,
    %mul3A_408 = arith.mulf %get3A_407, %get3A_54 : vector<16xf32>
    %add3A_409 = arith.addf %add3A_403, %mul3A_408 : vector<16xf32>
    %add3A_410 = arith.constant 2016 : i32
    %add3A_411 = arith.addi %add3A_410, %add3A_394 : i32
    %get3A_412 = arith.index_cast %add3A_411 : i32 to index
    %get3A_413 = tpu.vector_load %arg8[%get3A_412] {strides = array<i32>} : memref<8064xf32, #tpu.memory_space<vmem>>, vector<16xf32>,
    %mul3A_414 = arith.mulf %get3A_413, %get3A_56 : vector<16xf32>
    %add3A_415 = arith.addf %add3A_409, %mul3A_414 : vector<16xf32>
    %add3A_416 = arith.constant 2688 : i32
    %add3A_417 = arith.addi %add3A_416, %add3A_394 : i32
    %get3A_418 = arith.index_cast %add3A_417 : i32 to index
    %get3A_419 = tpu.vector_load %arg8[%get3A_418] {strides = array<i32>} : memref<8064xf32, #tpu.memory_space<vmem>>, vector<16xf32>,
    %mul3A_420 = arith.mulf %get3A_419, %get3A_58 : vector<16xf32>
    %add3A_421 = arith.addf %add3A_415, %mul3A_420 : vector<16xf32>
    %add3A_422 = arith.constant 3360 : i32
    %add3A_423 = arith.addi %add3A_422, %add3A_394 : i32
    %get3A_424 = arith.index_cast %add3A_423 : i32 to index
    %get3A_425 = tpu.vector_load %arg8[%get3A_424] {strides = array<i32>} : memref<8064xf32, #tpu.memory_space<vmem>>, vector<16xf32>,
    %mul3A_426 = arith.mulf %get3A_425, %get3A_60 : vector<16xf32>
    %add3A_427 = arith.addf %add3A_421, %mul3A_426 : vector<16xf32>
    %add3A_428 = arith.constant 4032 : i32
    %add3A_429 = arith.addi %add3A_428, %add3A_394 : i32
    %get3A_430 = arith.index_cast %add3A_429 : i32 to index
    %get3A_431 = tpu.vector_load %arg8[%get3A_430] {strides = array<i32>} : memref<8064xf32, #tpu.memory_space<vmem>>, vector<16xf32>,
    %mul3A_432 = arith.mulf %get3A_431, %get3A_62 : vector<16xf32>
    %add3A_433 = arith.addf %add3A_427, %mul3A_432 : vector<16xf32>
    %add3A_434 = arith.constant 4704 : i32
    %add3A_435 = arith.addi %add3A_434, %add3A_394 : i32
    %get3A_436 = arith.index_cast %add3A_435 : i32 to index
    %get3A_437 = tpu.vector_load %arg8[%get3A_436] {strides = array<i32>} : memref<8064xf32, #tpu.memory_space<vmem>>, vector<16xf32>,
    %mul3A_438 = arith.mulf %get3A_437, %get3A_64 : vector<16xf32>
    %add3A_439 = arith.addf %add3A_433, %mul3A_438 : vector<16xf32>
    %add3A_440 = arith.constant 5376 : i32
    %add3A_441 = arith.addi %add3A_440, %add3A_394 : i32
    %get3A_442 = arith.index_cast %add3A_441 : i32 to index
    %get3A_443 = tpu.vector_load %arg8[%get3A_442] {strides = array<i32>} : memref<8064xf32, #tpu.memory_space<vmem>>, vector<16xf32>,
    %mul3A_444 = arith.mulf %get3A_443, %get3A_66 : vector<16xf32>
    %add3A_445 = arith.addf %add3A_439, %mul3A_444 : vector<16xf32>
    %add3A_446 = arith.constant 6048 : i32
    %add3A_447 = arith.addi %add3A_446, %add3A_394 : i32
    %get3A_448 = arith.index_cast %add3A_447 : i32 to index
    %get3A_449 = tpu.vector_load %arg8[%get3A_448] {strides = array<i32>} : memref<8064xf32, #tpu.memory_space<vmem>>, vector<16xf32>,
    %mul3A_450 = arith.mulf %get3A_449, %get3A_68 : vector<16xf32>
    %add3A_451 = arith.addf %add3A_445, %mul3A_450 : vector<16xf32>
    %add3A_452 = arith.constant 6720 : i32
    %add3A_453 = arith.addi %add3A_452, %add3A_394 : i32
    %get3A_454 = arith.index_cast %add3A_453 : i32 to index
    %get3A_455 = tpu.vector_load %arg8[%get3A_454] {strides = array<i32>} : memref<8064xf32, #tpu.memory_space<vmem>>, vector<16xf32>,
    %mul3A_456 = arith.mulf %get3A_455, %get3A_70 : vector<16xf32>
    %add3A_457 = arith.addf %add3A_451, %mul3A_456 : vector<16xf32>
    %add3A_458 = arith.constant 7392 : i32
    %add3A_459 = arith.addi %add3A_458, %add3A_394 : i32
    %get3A_460 = arith.index_cast %add3A_459 : i32 to index
    %get3A_461 = tpu.vector_load %arg8[%get3A_460] {strides = array<i32>} : memref<8064xf32, #tpu.memory_space<vmem>>, vector<16xf32>,
    %mul3A_462 = arith.mulf %get3A_461, %get3A_72 : vector<16xf32>
    %add3A_463 = arith.addf %add3A_457, %mul3A_462 : vector<16xf32>
    %swap3A_464 = arith.constant 64 : index
    %swap3A_465 = tpu.vector_load %arg11[%swap3A_464] {strides = array<i32>} : memref<256xf32, #tpu.memory_space<vmem>>, vector<16xf32>,
    tpu.vector_store %arg11[%swap3A_464], %add3A_463 {strides = array<i32>} : memref<256xf32, #tpu.memory_space<vmem>>, vector<16xf32>,
    %add3A_466 = arith.constant 80 : i32
    %add3A_467 = arith.addi %sub3A_101, %add3A_466 : i32
    %get3A_468 = arith.index_cast %add3A_467 : i32 to index
    %get3A_469 = tpu.vector_load %arg8[%get3A_468] {strides = array<i32>} : memref<8064xf32, #tpu.memory_space<vmem>>, vector<16xf32>,
    %mul3A_470 = arith.mulf %get3A_469, %get3A_50 : vector<16xf32>
    %add3A_471 = arith.constant 672 : i32
    %add3A_472 = arith.addi %add3A_471, %add3A_467 : i32
    %get3A_473 = arith.index_cast %add3A_472 : i32 to index
    %get3A_474 = tpu.vector_load %arg8[%get3A_473] {strides = array<i32>} : memref<8064xf32, #tpu.memory_space<vmem>>, vector<16xf32>,
    %mul3A_475 = arith.mulf %get3A_474, %get3A_52 : vector<16xf32>
    %add3A_476 = arith.addf %mul3A_470, %mul3A_475 : vector<16xf32>
    %add3A_477 = arith.constant 1344 : i32
    %add3A_478 = arith.addi %add3A_477, %add3A_467 : i32
    %get3A_479 = arith.index_cast %add3A_478 : i32 to index
    %get3A_480 = tpu.vector_load %arg8[%get3A_479] {strides = array<i32>} : memref<8064xf32, #tpu.memory_space<vmem>>, vector<16xf32>,
    %mul3A_481 = arith.mulf %get3A_480, %get3A_54 : vector<16xf32>
    %add3A_482 = arith.addf %add3A_476, %mul3A_481 : vector<16xf32>
    %add3A_483 = arith.constant 2016 : i32
    %add3A_484 = arith.addi %add3A_483, %add3A_467 : i32
    %get3A_485 = arith.index_cast %add3A_484 : i32 to index
    %get3A_486 = tpu.vector_load %arg8[%get3A_485] {strides = array<i32>} : memref<8064xf32, #tpu.memory_space<vmem>>, vector<16xf32>,
    %mul3A_487 = arith.mulf %get3A_486, %get3A_56 : vector<16xf32>
    %add3A_488 = arith.addf %add3A_482, %mul3A_487 : vector<16xf32>
    %add3A_489 = arith.constant 2688 : i32
    %add3A_490 = arith.addi %add3A_489, %add3A_467 : i32
    %get3A_491 = arith.index_cast %add3A_490 : i32 to index
    %get3A_492 = tpu.vector_load %arg8[%get3A_491] {strides = array<i32>} : memref<8064xf32, #tpu.memory_space<vmem>>, vector<16xf32>,
    %mul3A_493 = arith.mulf %get3A_492, %get3A_58 : vector<16xf32>
    %add3A_494 = arith.addf %add3A_488, %mul3A_493 : vector<16xf32>
    %add3A_495 = arith.constant 3360 : i32
    %add3A_496 = arith.addi %add3A_495, %add3A_467 : i32
    %get3A_497 = arith.index_cast %add3A_496 : i32 to index
    %get3A_498 = tpu.vector_load %arg8[%get3A_497] {strides = array<i32>} : memref<8064xf32, #tpu.memory_space<vmem>>, vector<16xf32>,
    %mul3A_499 = arith.mulf %get3A_498, %get3A_60 : vector<16xf32>
    %add3A_500 = arith.addf %add3A_494, %mul3A_499 : vector<16xf32>
    %add3A_501 = arith.constant 4032 : i32
    %add3A_502 = arith.addi %add3A_501, %add3A_467 : i32
    %get3A_503 = arith.index_cast %add3A_502 : i32 to index
    %get3A_504 = tpu.vector_load %arg8[%get3A_503] {strides = array<i32>} : memref<8064xf32, #tpu.memory_space<vmem>>, vector<16xf32>,
    %mul3A_505 = arith.mulf %get3A_504, %get3A_62 : vector<16xf32>
    %add3A_506 = arith.addf %add3A_500, %mul3A_505 : vector<16xf32>
    %add3A_507 = arith.constant 4704 : i32
    %add3A_508 = arith.addi %add3A_507, %add3A_467 : i32
    %get3A_509 = arith.index_cast %add3A_508 : i32 to index
    %get3A_510 = tpu.vector_load %arg8[%get3A_509] {strides = array<i32>} : memref<8064xf32, #tpu.memory_space<vmem>>, vector<16xf32>,
    %mul3A_511 = arith.mulf %get3A_510, %get3A_64 : vector<16xf32>
    %add3A_512 = arith.addf %add3A_506, %mul3A_511 : vector<16xf32>
    %add3A_513 = arith.constant 5376 : i32
    %add3A_514 = arith.addi %add3A_513, %add3A_467 : i32
    %get3A_515 = arith.index_cast %add3A_514 : i32 to index
    %get3A_516 = tpu.vector_load %arg8[%get3A_515] {strides = array<i32>} : memref<8064xf32, #tpu.memory_space<vmem>>, vector<16xf32>,
    %mul3A_517 = arith.mulf %get3A_516, %get3A_66 : vector<16xf32>
    %add3A_518 = arith.addf %add3A_512, %mul3A_517 : vector<16xf32>
    %add3A_519 = arith.constant 6048 : i32
    %add3A_520 = arith.addi %add3A_519, %add3A_467 : i32
    %get3A_521 = arith.index_cast %add3A_520 : i32 to index
    %get3A_522 = tpu.vector_load %arg8[%get3A_521] {strides = array<i32>} : memref<8064xf32, #tpu.memory_space<vmem>>, vector<16xf32>,
    %mul3A_523 = arith.mulf %get3A_522, %get3A_68 : vector<16xf32>
    %add3A_524 = arith.addf %add3A_518, %mul3A_523 : vector<16xf32>
    %add3A_525 = arith.constant 6720 : i32
    %add3A_526 = arith.addi %add3A_525, %add3A_467 : i32
    %get3A_527 = arith.index_cast %add3A_526 : i32 to index
    %get3A_528 = tpu.vector_load %arg8[%get3A_527] {strides = array<i32>} : memref<8064xf32, #tpu.memory_space<vmem>>, vector<16xf32>,
    %mul3A_529 = arith.mulf %get3A_528, %get3A_70 : vector<16xf32>
    %add3A_530 = arith.addf %add3A_524, %mul3A_529 : vector<16xf32>
    %add3A_531 = arith.constant 7392 : i32
    %add3A_532 = arith.addi %add3A_531, %add3A_467 : i32
    %get3A_533 = arith.index_cast %add3A_532 : i32 to index
    %get3A_534 = tpu.vector_load %arg8[%get3A_533] {strides = array<i32>} : memref<8064xf32, #tpu.memory_space<vmem>>, vector<16xf32>,
    %mul3A_535 = arith.mulf %get3A_534, %get3A_72 : vector<16xf32>
    %add3A_536 = arith.addf %add3A_530, %mul3A_535 : vector<16xf32>
    %swap3A_537 = arith.constant 80 : index
    %swap3A_538 = tpu.vector_load %arg11[%swap3A_537] {strides = array<i32>} : memref<256xf32, #tpu.memory_space<vmem>>, vector<16xf32>,
    tpu.vector_store %arg11[%swap3A_537], %add3A_536 {strides = array<i32>} : memref<256xf32, #tpu.memory_space<vmem>>, vector<16xf32>,
    %add3A_539 = arith.constant 96 : i32
    %add3A_540 = arith.addi %sub3A_101, %add3A_539 : i32
    %get3A_541 = arith.index_cast %add3A_540 : i32 to index
    %get3A_542 = tpu.vector_load %arg8[%get3A_541] {strides = array<i32>} : memref<8064xf32, #tpu.memory_space<vmem>>, vector<16xf32>,
    %mul3A_543 = arith.mulf %get3A_542, %get3A_50 : vector<16xf32>
    %add3A_544 = arith.constant 672 : i32
    %add3A_545 = arith.addi %add3A_544, %add3A_540 : i32
    %get3A_546 = arith.index_cast %add3A_545 : i32 to index
    %get3A_547 = tpu.vector_load %arg8[%get3A_546] {strides = array<i32>} : memref<8064xf32, #tpu.memory_space<vmem>>, vector<16xf32>,
    %mul3A_548 = arith.mulf %get3A_547, %get3A_52 : vector<16xf32>
    %add3A_549 = arith.addf %mul3A_543, %mul3A_548 : vector<16xf32>
    %add3A_550 = arith.constant 1344 : i32
    %add3A_551 = arith.addi %add3A_550, %add3A_540 : i32
    %get3A_552 = arith.index_cast %add3A_551 : i32 to index
    %get3A_553 = tpu.vector_load %arg8[%get3A_552] {strides = array<i32>} : memref<8064xf32, #tpu.memory_space<vmem>>, vector<16xf32>,
    %mul3A_554 = arith.mulf %get3A_553, %get3A_54 : vector<16xf32>
    %add3A_555 = arith.addf %add3A_549, %mul3A_554 : vector<16xf32>
    %add3A_556 = arith.constant 2016 : i32
    %add3A_557 = arith.addi %add3A_556, %add3A_540 : i32
    %get3A_558 = arith.index_cast %add3A_557 : i32 to index
    %get3A_559 = tpu.vector_load %arg8[%get3A_558] {strides = array<i32>} : memref<8064xf32, #tpu.memory_space<vmem>>, vector<16xf32>,
    %mul3A_560 = arith.mulf %get3A_559, %get3A_56 : vector<16xf32>
    %add3A_561 = arith.addf %add3A_555, %mul3A_560 : vector<16xf32>
    %add3A_562 = arith.constant 2688 : i32
    %add3A_563 = arith.addi %add3A_562, %add3A_540 : i32
    %get3A_564 = arith.index_cast %add3A_563 : i32 to index
    %get3A_565 = tpu.vector_load %arg8[%get3A_564] {strides = array<i32>} : memref<8064xf32, #tpu.memory_space<vmem>>, vector<16xf32>,
    %mul3A_566 = arith.mulf %get3A_565, %get3A_58 : vector<16xf32>
    %add3A_567 = arith.addf %add3A_561, %mul3A_566 : vector<16xf32>
    %add3A_568 = arith.constant 3360 : i32
    %add3A_569 = arith.addi %add3A_568, %add3A_540 : i32
    %get3A_570 = arith.index_cast %add3A_569 : i32 to index
    %get3A_571 = tpu.vector_load %arg8[%get3A_570] {strides = array<i32>} : memref<8064xf32, #tpu.memory_space<vmem>>, vector<16xf32>,
    %mul3A_572 = arith.mulf %get3A_571, %get3A_60 : vector<16xf32>
    %add3A_573 = arith.addf %add3A_567, %mul3A_572 : vector<16xf32>
    %add3A_574 = arith.constant 4032 : i32
    %add3A_575 = arith.addi %add3A_574, %add3A_540 : i32
    %get3A_576 = arith.index_cast %add3A_575 : i32 to index
    %get3A_577 = tpu.vector_load %arg8[%get3A_576] {strides = array<i32>} : memref<8064xf32, #tpu.memory_space<vmem>>, vector<16xf32>,
    %mul3A_578 = arith.mulf %get3A_577, %get3A_62 : vector<16xf32>
    %add3A_579 = arith.addf %add3A_573, %mul3A_578 : vector<16xf32>
    %add3A_580 = arith.constant 4704 : i32
    %add3A_581 = arith.addi %add3A_580, %add3A_540 : i32
    %get3A_582 = arith.index_cast %add3A_581 : i32 to index
    %get3A_583 = tpu.vector_load %arg8[%get3A_582] {strides = array<i32>} : memref<8064xf32, #tpu.memory_space<vmem>>, vector<16xf32>,
    %mul3A_584 = arith.mulf %get3A_583, %get3A_64 : vector<16xf32>
    %add3A_585 = arith.addf %add3A_579, %mul3A_584 : vector<16xf32>
    %add3A_586 = arith.constant 5376 : i32
    %add3A_587 = arith.addi %add3A_586, %add3A_540 : i32
    %get3A_588 = arith.index_cast %add3A_587 : i32 to index
    %get3A_589 = tpu.vector_load %arg8[%get3A_588] {strides = array<i32>} : memref<8064xf32, #tpu.memory_space<vmem>>, vector<16xf32>,
    %mul3A_590 = arith.mulf %get3A_589, %get3A_66 : vector<16xf32>
    %add3A_591 = arith.addf %add3A_585, %mul3A_590 : vector<16xf32>
    %add3A_592 = arith.constant 6048 : i32
    %add3A_593 = arith.addi %add3A_592, %add3A_540 : i32
    %get3A_594 = arith.index_cast %add3A_593 : i32 to index
    %get3A_595 = tpu.vector_load %arg8[%get3A_594] {strides = array<i32>} : memref<8064xf32, #tpu.memory_space<vmem>>, vector<16xf32>,
    %mul3A_596 = arith.mulf %get3A_595, %get3A_68 : vector<16xf32>
    %add3A_597 = arith.addf %add3A_591, %mul3A_596 : vector<16xf32>
    %add3A_598 = arith.constant 6720 : i32
    %add3A_599 = arith.addi %add3A_598, %add3A_540 : i32
    %get3A_600 = arith.index_cast %add3A_599 : i32 to index
    %get3A_601 = tpu.vector_load %arg8[%get3A_600] {strides = array<i32>} : memref<8064xf32, #tpu.memory_space<vmem>>, vector<16xf32>,
    %mul3A_602 = arith.mulf %get3A_601, %get3A_70 : vector<16xf32>
    %add3A_603 = arith.addf %add3A_597, %mul3A_602 : vector<16xf32>
    %add3A_604 = arith.constant 7392 : i32
    %add3A_605 = arith.addi %add3A_604, %add3A_540 : i32
    %get3A_606 = arith.index_cast %add3A_605 : i32 to index
    %get3A_607 = tpu.vector_load %arg8[%get3A_606] {strides = array<i32>} : memref<8064xf32, #tpu.memory_space<vmem>>, vector<16xf32>,
    %mul3A_608 = arith.mulf %get3A_607, %get3A_72 : vector<16xf32>
    %add3A_609 = arith.addf %add3A_603, %mul3A_608 : vector<16xf32>
    %swap3A_610 = arith.constant 96 : index
    %swap3A_611 = tpu.vector_load %arg11[%swap3A_610] {strides = array<i32>} : memref<256xf32, #tpu.memory_space<vmem>>, vector<16xf32>,
    tpu.vector_store %arg11[%swap3A_610], %add3A_609 {strides = array<i32>} : memref<256xf32, #tpu.memory_space<vmem>>, vector<16xf32>,
    %add3A_612 = arith.constant 112 : i32
    %add3A_613 = arith.addi %sub3A_101, %add3A_612 : i32
    %get3A_614 = arith.index_cast %add3A_613 : i32 to index
    %get3A_615 = tpu.vector_load %arg8[%get3A_614] {strides = array<i32>} : memref<8064xf32, #tpu.memory_space<vmem>>, vector<16xf32>,
    %mul3A_616 = arith.mulf %get3A_615, %get3A_50 : vector<16xf32>
    %add3A_617 = arith.constant 672 : i32
    %add3A_618 = arith.addi %add3A_617, %add3A_613 : i32
    %get3A_619 = arith.index_cast %add3A_618 : i32 to index
    %get3A_620 = tpu.vector_load %arg8[%get3A_619] {strides = array<i32>} : memref<8064xf32, #tpu.memory_space<vmem>>, vector<16xf32>,
    %mul3A_621 = arith.mulf %get3A_620, %get3A_52 : vector<16xf32>
    %add3A_622 = arith.addf %mul3A_616, %mul3A_621 : vector<16xf32>
    %add3A_623 = arith.constant 1344 : i32
    %add3A_624 = arith.addi %add3A_623, %add3A_613 : i32
    %get3A_625 = arith.index_cast %add3A_624 : i32 to index
    %get3A_626 = tpu.vector_load %arg8[%get3A_625] {strides = array<i32>} : memref<8064xf32, #tpu.memory_space<vmem>>, vector<16xf32>,
    %mul3A_627 = arith.mulf %get3A_626, %get3A_54 : vector<16xf32>
    %add3A_628 = arith.addf %add3A_622, %mul3A_627 : vector<16xf32>
    %add3A_629 = arith.constant 2016 : i32
    %add3A_630 = arith.addi %add3A_629, %add3A_613 : i32
    %get3A_631 = arith.index_cast %add3A_630 : i32 to index
    %get3A_632 = tpu.vector_load %arg8[%get3A_631] {strides = array<i32>} : memref<8064xf32, #tpu.memory_space<vmem>>, vector<16xf32>,
    %mul3A_633 = arith.mulf %get3A_632, %get3A_56 : vector<16xf32>
    %add3A_634 = arith.addf %add3A_628, %mul3A_633 : vector<16xf32>
    %add3A_635 = arith.constant 2688 : i32
    %add3A_636 = arith.addi %add3A_635, %add3A_613 : i32
    %get3A_637 = arith.index_cast %add3A_636 : i32 to index
    %get3A_638 = tpu.vector_load %arg8[%get3A_637] {strides = array<i32>} : memref<8064xf32, #tpu.memory_space<vmem>>, vector<16xf32>,
    %mul3A_639 = arith.mulf %get3A_638, %get3A_58 : vector<16xf32>
    %add3A_640 = arith.addf %add3A_634, %mul3A_639 : vector<16xf32>
    %add3A_641 = arith.constant 3360 : i32
    %add3A_642 = arith.addi %add3A_641, %add3A_613 : i32
    %get3A_643 = arith.index_cast %add3A_642 : i32 to index
    %get3A_644 = tpu.vector_load %arg8[%get3A_643] {strides = array<i32>} : memref<8064xf32, #tpu.memory_space<vmem>>, vector<16xf32>,
    %mul3A_645 = arith.mulf %get3A_644, %get3A_60 : vector<16xf32>
    %add3A_646 = arith.addf %add3A_640, %mul3A_645 : vector<16xf32>
    %add3A_647 = arith.constant 4032 : i32
    %add3A_648 = arith.addi %add3A_647, %add3A_613 : i32
    %get3A_649 = arith.index_cast %add3A_648 : i32 to index
    %get3A_650 = tpu.vector_load %arg8[%get3A_649] {strides = array<i32>} : memref<8064xf32, #tpu.memory_space<vmem>>, vector<16xf32>,
    %mul3A_651 = arith.mulf %get3A_650, %get3A_62 : vector<16xf32>
    %add3A_652 = arith.addf %add3A_646, %mul3A_651 : vector<16xf32>
    %add3A_653 = arith.constant 4704 : i32
    %add3A_654 = arith.addi %add3A_653, %add3A_613 : i32
    %get3A_655 = arith.index_cast %add3A_654 : i32 to index
    %get3A_656 = tpu.vector_load %arg8[%get3A_655] {strides = array<i32>} : memref<8064xf32, #tpu.memory_space<vmem>>, vector<16xf32>,
    %mul3A_657 = arith.mulf %get3A_656, %get3A_64 : vector<16xf32>
    %add3A_658 = arith.addf %add3A_652, %mul3A_657 : vector<16xf32>
    %add3A_659 = arith.constant 5376 : i32
    %add3A_660 = arith.addi %add3A_659, %add3A_613 : i32
    %get3A_661 = arith.index_cast %add3A_660 : i32 to index
    %get3A_662 = tpu.vector_load %arg8[%get3A_661] {strides = array<i32>} : memref<8064xf32, #tpu.memory_space<vmem>>, vector<16xf32>,
    %mul3A_663 = arith.mulf %get3A_662, %get3A_66 : vector<16xf32>
    %add3A_664 = arith.addf %add3A_658, %mul3A_663 : vector<16xf32>
    %add3A_665 = arith.constant 6048 : i32
    %add3A_666 = arith.addi %add3A_665, %add3A_613 : i32
    %get3A_667 = arith.index_cast %add3A_666 : i32 to index
    %get3A_668 = tpu.vector_load %arg8[%get3A_667] {strides = array<i32>} : memref<8064xf32, #tpu.memory_space<vmem>>, vector<16xf32>,
    %mul3A_669 = arith.mulf %get3A_668, %get3A_68 : vector<16xf32>
    %add3A_670 = arith.addf %add3A_664, %mul3A_669 : vector<16xf32>
    %add3A_671 = arith.constant 6720 : i32
    %add3A_672 = arith.addi %add3A_671, %add3A_613 : i32
    %get3A_673 = arith.index_cast %add3A_672 : i32 to index
    %get3A_674 = tpu.vector_load %arg8[%get3A_673] {strides = array<i32>} : memref<8064xf32, #tpu.memory_space<vmem>>, vector<16xf32>,
    %mul3A_675 = arith.mulf %get3A_674, %get3A_70 : vector<16xf32>
    %add3A_676 = arith.addf %add3A_670, %mul3A_675 : vector<16xf32>
    %add3A_677 = arith.constant 7392 : i32
    %add3A_678 = arith.addi %add3A_677, %add3A_613 : i32
    %get3A_679 = arith.index_cast %add3A_678 : i32 to index
    %get3A_680 = tpu.vector_load %arg8[%get3A_679] {strides = array<i32>} : memref<8064xf32, #tpu.memory_space<vmem>>, vector<16xf32>,
    %mul3A_681 = arith.mulf %get3A_680, %get3A_72 : vector<16xf32>
    %add3A_682 = arith.addf %add3A_676, %mul3A_681 : vector<16xf32>
    %swap3A_683 = arith.constant 112 : index
    %swap3A_684 = tpu.vector_load %arg11[%swap3A_683] {strides = array<i32>} : memref<256xf32, #tpu.memory_space<vmem>>, vector<16xf32>,
    tpu.vector_store %arg11[%swap3A_683], %add3A_682 {strides = array<i32>} : memref<256xf32, #tpu.memory_space<vmem>>, vector<16xf32>,
    %add3A_685 = arith.constant 128 : i32
    %add3A_686 = arith.addi %sub3A_101, %add3A_685 : i32
    %get3A_687 = arith.index_cast %add3A_686 : i32 to index
    %get3A_688 = tpu.vector_load %arg8[%get3A_687] {strides = array<i32>} : memref<8064xf32, #tpu.memory_space<vmem>>, vector<16xf32>,
    %mul3A_689 = arith.mulf %get3A_688, %get3A_50 : vector<16xf32>
    %add3A_690 = arith.constant 672 : i32
    %add3A_691 = arith.addi %add3A_690, %add3A_686 : i32
    %get3A_692 = arith.index_cast %add3A_691 : i32 to index
    %get3A_693 = tpu.vector_load %arg8[%get3A_692] {strides = array<i32>} : memref<8064xf32, #tpu.memory_space<vmem>>, vector<16xf32>,
    %mul3A_694 = arith.mulf %get3A_693, %get3A_52 : vector<16xf32>
    %add3A_695 = arith.addf %mul3A_689, %mul3A_694 : vector<16xf32>
    %add3A_696 = arith.constant 1344 : i32
    %add3A_697 = arith.addi %add3A_696, %add3A_686 : i32
    %get3A_698 = arith.index_cast %add3A_697 : i32 to index
    %get3A_699 = tpu.vector_load %arg8[%get3A_698] {strides = array<i32>} : memref<8064xf32, #tpu.memory_space<vmem>>, vector<16xf32>,
    %mul3A_700 = arith.mulf %get3A_699, %get3A_54 : vector<16xf32>
    %add3A_701 = arith.addf %add3A_695, %mul3A_700 : vector<16xf32>
    %add3A_702 = arith.constant 2016 : i32
    %add3A_703 = arith.addi %add3A_702, %add3A_686 : i32
    %get3A_704 = arith.index_cast %add3A_703 : i32 to index
    %get3A_705 = tpu.vector_load %arg8[%get3A_704] {strides = array<i32>} : memref<8064xf32, #tpu.memory_space<vmem>>, vector<16xf32>,
    %mul3A_706 = arith.mulf %get3A_705, %get3A_56 : vector<16xf32>
    %add3A_707 = arith.addf %add3A_701, %mul3A_706 : vector<16xf32>
    %add3A_708 = arith.constant 2688 : i32
    %add3A_709 = arith.addi %add3A_708, %add3A_686 : i32
    %get3A_710 = arith.index_cast %add3A_709 : i32 to index
    %get3A_711 = tpu.vector_load %arg8[%get3A_710] {strides = array<i32>} : memref<8064xf32, #tpu.memory_space<vmem>>, vector<16xf32>,
    %mul3A_712 = arith.mulf %get3A_711, %get3A_58 : vector<16xf32>
    %add3A_713 = arith.addf %add3A_707, %mul3A_712 : vector<16xf32>
    %add3A_714 = arith.constant 3360 : i32
    %add3A_715 = arith.addi %add3A_714, %add3A_686 : i32
    %get3A_716 = arith.index_cast %add3A_715 : i32 to index
    %get3A_717 = tpu.vector_load %arg8[%get3A_716] {strides = array<i32>} : memref<8064xf32, #tpu.memory_space<vmem>>, vector<16xf32>,
    %mul3A_718 = arith.mulf %get3A_717, %get3A_60 : vector<16xf32>
    %add3A_719 = arith.addf %add3A_713, %mul3A_718 : vector<16xf32>
    %add3A_720 = arith.constant 4032 : i32
    %add3A_721 = arith.addi %add3A_720, %add3A_686 : i32
    %get3A_722 = arith.index_cast %add3A_721 : i32 to index
    %get3A_723 = tpu.vector_load %arg8[%get3A_722] {strides = array<i32>} : memref<8064xf32, #tpu.memory_space<vmem>>, vector<16xf32>,
    %mul3A_724 = arith.mulf %get3A_723, %get3A_62 : vector<16xf32>
    %add3A_725 = arith.addf %add3A_719, %mul3A_724 : vector<16xf32>
    %add3A_726 = arith.constant 4704 : i32
    %add3A_727 = arith.addi %add3A_726, %add3A_686 : i32
    %get3A_728 = arith.index_cast %add3A_727 : i32 to index
    %get3A_729 = tpu.vector_load %arg8[%get3A_728] {strides = array<i32>} : memref<8064xf32, #tpu.memory_space<vmem>>, vector<16xf32>,
    %mul3A_730 = arith.mulf %get3A_729, %get3A_64 : vector<16xf32>
    %add3A_731 = arith.addf %add3A_725, %mul3A_730 : vector<16xf32>
    %add3A_732 = arith.constant 5376 : i32
    %add3A_733 = arith.addi %add3A_732, %add3A_686 : i32
    %get3A_734 = arith.index_cast %add3A_733 : i32 to index
    %get3A_735 = tpu.vector_load %arg8[%get3A_734] {strides = array<i32>} : memref<8064xf32, #tpu.memory_space<vmem>>, vector<16xf32>,
    %mul3A_736 = arith.mulf %get3A_735, %get3A_66 : vector<16xf32>
    %add3A_737 = arith.addf %add3A_731, %mul3A_736 : vector<16xf32>
    %add3A_738 = arith.constant 6048 : i32
    %add3A_739 = arith.addi %add3A_738, %add3A_686 : i32
    %get3A_740 = arith.index_cast %add3A_739 : i32 to index
    %get3A_741 = tpu.vector_load %arg8[%get3A_740] {strides = array<i32>} : memref<8064xf32, #tpu.memory_space<vmem>>, vector<16xf32>,
    %mul3A_742 = arith.mulf %get3A_741, %get3A_68 : vector<16xf32>
    %add3A_743 = arith.addf %add3A_737, %mul3A_742 : vector<16xf32>
    %add3A_744 = arith.constant 6720 : i32
    %add3A_745 = arith.addi %add3A_744, %add3A_686 : i32
    %get3A_746 = arith.index_cast %add3A_745 : i32 to index
    %get3A_747 = tpu.vector_load %arg8[%get3A_746] {strides = array<i32>} : memref<8064xf32, #tpu.memory_space<vmem>>, vector<16xf32>,
    %mul3A_748 = arith.mulf %get3A_747, %get3A_70 : vector<16xf32>
    %add3A_749 = arith.addf %add3A_743, %mul3A_748 : vector<16xf32>
    %add3A_750 = arith.constant 7392 : i32
    %add3A_751 = arith.addi %add3A_750, %add3A_686 : i32
    %get3A_752 = arith.index_cast %add3A_751 : i32 to index
    %get3A_753 = tpu.vector_load %arg8[%get3A_752] {strides = array<i32>} : memref<8064xf32, #tpu.memory_space<vmem>>, vector<16xf32>,
    %mul3A_754 = arith.mulf %get3A_753, %get3A_72 : vector<16xf32>
    %add3A_755 = arith.addf %add3A_749, %mul3A_754 : vector<16xf32>
    %swap3A_756 = arith.constant 128 : index
    %swap3A_757 = tpu.vector_load %arg11[%swap3A_756] {strides = array<i32>} : memref<256xf32, #tpu.memory_space<vmem>>, vector<16xf32>,
    tpu.vector_store %arg11[%swap3A_756], %add3A_755 {strides = array<i32>} : memref<256xf32, #tpu.memory_space<vmem>>, vector<16xf32>,
    %add3A_758 = arith.constant 144 : i32
    %add3A_759 = arith.addi %sub3A_101, %add3A_758 : i32
    %get3A_760 = arith.index_cast %add3A_759 : i32 to index
    %get3A_761 = tpu.vector_load %arg8[%get3A_760] {strides = array<i32>} : memref<8064xf32, #tpu.memory_space<vmem>>, vector<16xf32>,
    %mul3A_762 = arith.mulf %get3A_761, %get3A_50 : vector<16xf32>
    %add3A_763 = arith.constant 672 : i32
    %add3A_764 = arith.addi %add3A_763, %add3A_759 : i32
    %get3A_765 = arith.index_cast %add3A_764 : i32 to index
    %get3A_766 = tpu.vector_load %arg8[%get3A_765] {strides = array<i32>} : memref<8064xf32, #tpu.memory_space<vmem>>, vector<16xf32>,
    %mul3A_767 = arith.mulf %get3A_766, %get3A_52 : vector<16xf32>
    %add3A_768 = arith.addf %mul3A_762, %mul3A_767 : vector<16xf32>
    %add3A_769 = arith.constant 1344 : i32
    %add3A_770 = arith.addi %add3A_769, %add3A_759 : i32
    %get3A_771 = arith.index_cast %add3A_770 : i32 to index
    %get3A_772 = tpu.vector_load %arg8[%get3A_771] {strides = array<i32>} : memref<8064xf32, #tpu.memory_space<vmem>>, vector<16xf32>,
    %mul3A_773 = arith.mulf %get3A_772, %get3A_54 : vector<16xf32>
    %add3A_774 = arith.addf %add3A_768, %mul3A_773 : vector<16xf32>
    %add3A_775 = arith.constant 2016 : i32
    %add3A_776 = arith.addi %add3A_775, %add3A_759 : i32
    %get3A_777 = arith.index_cast %add3A_776 : i32 to index
    %get3A_778 = tpu.vector_load %arg8[%get3A_777] {strides = array<i32>} : memref<8064xf32, #tpu.memory_space<vmem>>, vector<16xf32>,
    %mul3A_779 = arith.mulf %get3A_778, %get3A_56 : vector<16xf32>
    %add3A_780 = arith.addf %add3A_774, %mul3A_779 : vector<16xf32>
    %add3A_781 = arith.constant 2688 : i32
    %add3A_782 = arith.addi %add3A_781, %add3A_759 : i32
    %get3A_783 = arith.index_cast %add3A_782 : i32 to index
    %get3A_784 = tpu.vector_load %arg8[%get3A_783] {strides = array<i32>} : memref<8064xf32, #tpu.memory_space<vmem>>, vector<16xf32>,
    %mul3A_785 = arith.mulf %get3A_784, %get3A_58 : vector<16xf32>
    %add3A_786 = arith.addf %add3A_780, %mul3A_785 : vector<16xf32>
    %add3A_787 = arith.constant 3360 : i32
    %add3A_788 = arith.addi %add3A_787, %add3A_759 : i32
    %get3A_789 = arith.index_cast %add3A_788 : i32 to index
    %get3A_790 = tpu.vector_load %arg8[%get3A_789] {strides = array<i32>} : memref<8064xf32, #tpu.memory_space<vmem>>, vector<16xf32>,
    %mul3A_791 = arith.mulf %get3A_790, %get3A_60 : vector<16xf32>
    %add3A_792 = arith.addf %add3A_786, %mul3A_791 : vector<16xf32>
    %add3A_793 = arith.constant 4032 : i32
    %add3A_794 = arith.addi %add3A_793, %add3A_759 : i32
    %get3A_795 = arith.index_cast %add3A_794 : i32 to index
    %get3A_796 = tpu.vector_load %arg8[%get3A_795] {strides = array<i32>} : memref<8064xf32, #tpu.memory_space<vmem>>, vector<16xf32>,
    %mul3A_797 = arith.mulf %get3A_796, %get3A_62 : vector<16xf32>
    %add3A_798 = arith.addf %add3A_792, %mul3A_797 : vector<16xf32>
    %add3A_799 = arith.constant 4704 : i32
    %add3A_800 = arith.addi %add3A_799, %add3A_759 : i32
    %get3A_801 = arith.index_cast %add3A_800 : i32 to index
    %get3A_802 = tpu.vector_load %arg8[%get3A_801] {strides = array<i32>} : memref<8064xf32, #tpu.memory_space<vmem>>, vector<16xf32>,
    %mul3A_803 = arith.mulf %get3A_802, %get3A_64 : vector<16xf32>
    %add3A_804 = arith.addf %add3A_798, %mul3A_803 : vector<16xf32>
    %add3A_805 = arith.constant 5376 : i32
    %add3A_806 = arith.addi %add3A_805, %add3A_759 : i32
    %get3A_807 = arith.index_cast %add3A_806 : i32 to index
    %get3A_808 = tpu.vector_load %arg8[%get3A_807] {strides = array<i32>} : memref<8064xf32, #tpu.memory_space<vmem>>, vector<16xf32>,
    %mul3A_809 = arith.mulf %get3A_808, %get3A_66 : vector<16xf32>
    %add3A_810 = arith.addf %add3A_804, %mul3A_809 : vector<16xf32>
    %add3A_811 = arith.constant 6048 : i32
    %add3A_812 = arith.addi %add3A_811, %add3A_759 : i32
    %get3A_813 = arith.index_cast %add3A_812 : i32 to index
    %get3A_814 = tpu.vector_load %arg8[%get3A_813] {strides = array<i32>} : memref<8064xf32, #tpu.memory_space<vmem>>, vector<16xf32>,
    %mul3A_815 = arith.mulf %get3A_814, %get3A_68 : vector<16xf32>
    %add3A_816 = arith.addf %add3A_810, %mul3A_815 : vector<16xf32>
    %add3A_817 = arith.constant 6720 : i32
    %add3A_818 = arith.addi %add3A_817, %add3A_759 : i32
    %get3A_819 = arith.index_cast %add3A_818 : i32 to index
    %get3A_820 = tpu.vector_load %arg8[%get3A_819] {strides = array<i32>} : memref<8064xf32, #tpu.memory_space<vmem>>, vector<16xf32>,
    %mul3A_821 = arith.mulf %get3A_820, %get3A_70 : vector<16xf32>
    %add3A_822 = arith.addf %add3A_816, %mul3A_821 : vector<16xf32>
    %add3A_823 = arith.constant 7392 : i32
    %add3A_824 = arith.addi %add3A_823, %add3A_759 : i32
    %get3A_825 = arith.index_cast %add3A_824 : i32 to index
    %get3A_826 = tpu.vector_load %arg8[%get3A_825] {strides = array<i32>} : memref<8064xf32, #tpu.memory_space<vmem>>, vector<16xf32>,
    %mul3A_827 = arith.mulf %get3A_826, %get3A_72 : vector<16xf32>
    %add3A_828 = arith.addf %add3A_822, %mul3A_827 : vector<16xf32>
    %swap3A_829 = arith.constant 144 : index
    %swap3A_830 = tpu.vector_load %arg11[%swap3A_829] {strides = array<i32>} : memref<256xf32, #tpu.memory_space<vmem>>, vector<16xf32>,
    tpu.vector_store %arg11[%swap3A_829], %add3A_828 {strides = array<i32>} : memref<256xf32, #tpu.memory_space<vmem>>, vector<16xf32>,
    %add3A_831 = arith.constant 160 : i32
    %add3A_832 = arith.addi %sub3A_101, %add3A_831 : i32
    %get3A_833 = arith.index_cast %add3A_832 : i32 to index
    %get3A_834 = tpu.vector_load %arg8[%get3A_833] {strides = array<i32>} : memref<8064xf32, #tpu.memory_space<vmem>>, vector<16xf32>,
    %mul3A_835 = arith.mulf %get3A_834, %get3A_50 : vector<16xf32>
    %add3A_836 = arith.constant 672 : i32
    %add3A_837 = arith.addi %add3A_836, %add3A_832 : i32
    %get3A_838 = arith.index_cast %add3A_837 : i32 to index
    %get3A_839 = tpu.vector_load %arg8[%get3A_838] {strides = array<i32>} : memref<8064xf32, #tpu.memory_space<vmem>>, vector<16xf32>,
    %mul3A_840 = arith.mulf %get3A_839, %get3A_52 : vector<16xf32>
    %add3A_841 = arith.addf %mul3A_835, %mul3A_840 : vector<16xf32>
    %add3A_842 = arith.constant 1344 : i32
    %add3A_843 = arith.addi %add3A_842, %add3A_832 : i32
    %get3A_844 = arith.index_cast %add3A_843 : i32 to index
    %get3A_845 = tpu.vector_load %arg8[%get3A_844] {strides = array<i32>} : memref<8064xf32, #tpu.memory_space<vmem>>, vector<16xf32>,
    %mul3A_846 = arith.mulf %get3A_845, %get3A_54 : vector<16xf32>
    %add3A_847 = arith.addf %add3A_841, %mul3A_846 : vector<16xf32>
    %add3A_848 = arith.constant 2016 : i32
    %add3A_849 = arith.addi %add3A_848, %add3A_832 : i32
    %get3A_850 = arith.index_cast %add3A_849 : i32 to index
    %get3A_851 = tpu.vector_load %arg8[%get3A_850] {strides = array<i32>} : memref<8064xf32, #tpu.memory_space<vmem>>, vector<16xf32>,
    %mul3A_852 = arith.mulf %get3A_851, %get3A_56 : vector<16xf32>
    %add3A_853 = arith.addf %add3A_847, %mul3A_852 : vector<16xf32>
    %add3A_854 = arith.constant 2688 : i32
    %add3A_855 = arith.addi %add3A_854, %add3A_832 : i32
    %get3A_856 = arith.index_cast %add3A_855 : i32 to index
    %get3A_857 = tpu.vector_load %arg8[%get3A_856] {strides = array<i32>} : memref<8064xf32, #tpu.memory_space<vmem>>, vector<16xf32>,
    %mul3A_858 = arith.mulf %get3A_857, %get3A_58 : vector<16xf32>
    %add3A_859 = arith.addf %add3A_853, %mul3A_858 : vector<16xf32>
    %add3A_860 = arith.constant 3360 : i32
    %add3A_861 = arith.addi %add3A_860, %add3A_832 : i32
    %get3A_862 = arith.index_cast %add3A_861 : i32 to index
    %get3A_863 = tpu.vector_load %arg8[%get3A_862] {strides = array<i32>} : memref<8064xf32, #tpu.memory_space<vmem>>, vector<16xf32>,
    %mul3A_864 = arith.mulf %get3A_863, %get3A_60 : vector<16xf32>
    %add3A_865 = arith.addf %add3A_859, %mul3A_864 : vector<16xf32>
    %add3A_866 = arith.constant 4032 : i32
    %add3A_867 = arith.addi %add3A_866, %add3A_832 : i32
    %get3A_868 = arith.index_cast %add3A_867 : i32 to index
    %get3A_869 = tpu.vector_load %arg8[%get3A_868] {strides = array<i32>} : memref<8064xf32, #tpu.memory_space<vmem>>, vector<16xf32>,
    %mul3A_870 = arith.mulf %get3A_869, %get3A_62 : vector<16xf32>
    %add3A_871 = arith.addf %add3A_865, %mul3A_870 : vector<16xf32>
    %add3A_872 = arith.constant 4704 : i32
    %add3A_873 = arith.addi %add3A_872, %add3A_832 : i32
    %get3A_874 = arith.index_cast %add3A_873 : i32 to index
    %get3A_875 = tpu.vector_load %arg8[%get3A_874] {strides = array<i32>} : memref<8064xf32, #tpu.memory_space<vmem>>, vector<16xf32>,
    %mul3A_876 = arith.mulf %get3A_875, %get3A_64 : vector<16xf32>
    %add3A_877 = arith.addf %add3A_871, %mul3A_876 : vector<16xf32>
    %add3A_878 = arith.constant 5376 : i32
    %add3A_879 = arith.addi %add3A_878, %add3A_832 : i32
    %get3A_880 = arith.index_cast %add3A_879 : i32 to index
    %get3A_881 = tpu.vector_load %arg8[%get3A_880] {strides = array<i32>} : memref<8064xf32, #tpu.memory_space<vmem>>, vector<16xf32>,
    %mul3A_882 = arith.mulf %get3A_881, %get3A_66 : vector<16xf32>
    %add3A_883 = arith.addf %add3A_877, %mul3A_882 : vector<16xf32>
    %add3A_884 = arith.constant 6048 : i32
    %add3A_885 = arith.addi %add3A_884, %add3A_832 : i32
    %get3A_886 = arith.index_cast %add3A_885 : i32 to index
    %get3A_887 = tpu.vector_load %arg8[%get3A_886] {strides = array<i32>} : memref<8064xf32, #tpu.memory_space<vmem>>, vector<16xf32>,
    %mul3A_888 = arith.mulf %get3A_887, %get3A_68 : vector<16xf32>
    %add3A_889 = arith.addf %add3A_883, %mul3A_888 : vector<16xf32>
    %add3A_890 = arith.constant 6720 : i32
    %add3A_891 = arith.addi %add3A_890, %add3A_832 : i32
    %get3A_892 = arith.index_cast %add3A_891 : i32 to index
    %get3A_893 = tpu.vector_load %arg8[%get3A_892] {strides = array<i32>} : memref<8064xf32, #tpu.memory_space<vmem>>, vector<16xf32>,
    %mul3A_894 = arith.mulf %get3A_893, %get3A_70 : vector<16xf32>
    %add3A_895 = arith.addf %add3A_889, %mul3A_894 : vector<16xf32>
    %add3A_896 = arith.constant 7392 : i32
    %add3A_897 = arith.addi %add3A_896, %add3A_832 : i32
    %get3A_898 = arith.index_cast %add3A_897 : i32 to index
    %get3A_899 = tpu.vector_load %arg8[%get3A_898] {strides = array<i32>} : memref<8064xf32, #tpu.memory_space<vmem>>, vector<16xf32>,
    %mul3A_900 = arith.mulf %get3A_899, %get3A_72 : vector<16xf32>
    %add3A_901 = arith.addf %add3A_895, %mul3A_900 : vector<16xf32>
    %swap3A_902 = arith.constant 160 : index
    %swap3A_903 = tpu.vector_load %arg11[%swap3A_902] {strides = array<i32>} : memref<256xf32, #tpu.memory_space<vmem>>, vector<16xf32>,
    tpu.vector_store %arg11[%swap3A_902], %add3A_901 {strides = array<i32>} : memref<256xf32, #tpu.memory_space<vmem>>, vector<16xf32>,
    %broadcast_in_dim3A = arith.constant 0.000000e+00 : f32
    %broadcast_in_dim3A_904 = vector.broadcast %broadcast_in_dim3A : f32 to vector<16xf32>
    %swap3A_905 = arith.constant 0 : index
    %swap3A_906 = tpu.vector_load %arg15[%swap3A_905] {strides = array<i32>} : memref<16xf32, #tpu.memory_space<vmem>>, vector<16xf32>,
    tpu.vector_store %arg15[%swap3A_905], %broadcast_in_dim3A_904 {strides = array<i32>} : memref<16xf32, #tpu.memory_space<vmem>>, vector<16xf32>,
    %iota3A = tpu.iota {dimensions = array<i32: 0>} : vector<16xi32>
    %lt3A = arith.constant 14 : i32
    %lt3A_907 = vector.broadcast %lt3A : i32 to vector<16xi32>
    %lt3A_908 = arith.cmpi slt, %iota3A, %lt3A_907 : vector<16xi32>
    %mul3A_909 = arith.constant 2112 : i32
    %mul3A_910 = vector.broadcast %mul3A_909 : i32 to vector<16xi32>
    %mul3A_911 = arith.muli %iota3A, %mul3A_910 : vector<16xi32>
    %add3A_912 = arith.constant 16 : i32
    %add3A_913 = vector.broadcast %add3A_912 : i32 to vector<16xi32>
    %add3A_914 = arith.addi %iota3A, %add3A_913 : vector<16xi32>
    %mul3A_915 = arith.constant 2112 : i32
    %mul3A_916 = vector.broadcast %mul3A_915 : i32 to vector<16xi32>
    %mul3A_917 = arith.muli %add3A_914, %mul3A_916 : vector<16xi32>
    %scan3A_918 = arith.constant 0 : i32
    %scan3A_919 = arith.constant 176 : i32
    %scan3A_920 = arith.addi %scan3A_918, %scan3A_919 : i32
    %scan3A_921 = arith.constant 1 : i32
    scf.for %scan3A_927 = %scan3A_918 to %scan3A_920 step %scan3A_921  : i32 {
      %mul3A_928 = arith.constant 1 : i32
      %mul3A_929 = arith.muli %scan3A_927, %mul3A_928 : i32
      %add3A_930 = arith.constant 0 : i32
      %add3A_931 = arith.addi %add3A_930, %mul3A_929 : i32
      %broadcast_in_dim3A_932 = vector.broadcast %add3A_931 : i32 to vector<16xi32>
      %gather3A = tpu.vector_load_idx %arg11[%broadcast_in_dim3A_932] : memref<256xf32, #tpu.memory_space<vmem>>[vector<16xi32>], vector<16xf32>,
      %mul3A_933 = arith.constant 32 : i32
      %mul3A_934 = arith.muli %add3A_931, %mul3A_933 : i32
      %get3A_935 = arith.index_cast %mul3A_934 : i32 to index
      %get3A_936 = tpu.vector_load %arg9[%get3A_935] {strides = array<i32>} : memref<5632xi32, #tpu.memory_space<vmem>>, vector<16xi32>,
      %mul3A_937 = arith.constant 32 : i32
      %mul3A_938 = arith.muli %add3A_931, %mul3A_937 : i32
      %add3A_939 = arith.constant 16 : i32
      %add3A_940 = arith.addi %mul3A_938, %add3A_939 : i32
      %get3A_941 = arith.index_cast %add3A_940 : i32 to index
      %get3A_942 = tpu.vector_load %arg9[%get3A_941] {strides = array<i32>} : memref<5632xi32, #tpu.memory_space<vmem>>, vector<16xi32>,
      %gather3A_943 = tpu.vector_load_idx %arg10[%get3A_936] : memref<672xf32, #tpu.memory_space<vmem>>[vector<16xi32>], vector<16xf32>,
      %add3A_944 = arith.addf %gather3A, %gather3A_943 : vector<16xf32>
      %gather3A_945 = tpu.vector_load_idx %arg10[%get3A_942] : memref<672xf32, #tpu.memory_space<vmem>>[vector<16xi32>], vector<16xf32>,
      %add3A_946 = arith.addf %gather3A, %gather3A_945 : vector<16xf32>
      %mul3A_947 = arith.constant 5.000000e-01 : f32
      %mul3A_948 = vector.broadcast %mul3A_947 : f32 to vector<16xf32>
      %mul3A_949 = arith.mulf %mul3A_948, %add3A_944 : vector<16xf32>
      %max3A = arith.maximumf %add3A_944, %mul3A_949 : vector<16xf32>
      %mul3A_950 = arith.constant 5.000000e-01 : f32
      %mul3A_951 = vector.broadcast %mul3A_950 : f32 to vector<16xf32>
      %mul3A_952 = arith.mulf %mul3A_951, %add3A_946 : vector<16xf32>
      %max3A_953 = arith.maximumf %add3A_946, %mul3A_952 : vector<16xf32>
      %jit3A_954 = arith.constant -3.000000e+38 : f32
      %broadcast_in_dim3A_955 = vector.broadcast %jit3A_954 : f32 to vector<16xf32>
      %select_n3A_956 = arith.select %lt3A_908, %max3A_953, %broadcast_in_dim3A_955 : vector<16xi1>, vector<16xf32>
      %max3A_957 = arith.maximumf %max3A, %select_n3A_956 : vector<16xf32>
      %reduce_max3A = arith.constant true
      %reduce_max3A_958 = vector.broadcast %reduce_max3A : i1 to vector<16xi1>
      %reduce_max3A_959 = tpu.scan <max>, %max3A_957 masked %reduce_max3A_958 : vector<16xf32>, vector<16xi1> -> vector<16xf32>
      %reduce_max3A_960 = vector.extract %reduce_max3A_959[15] : f32 from vector<16xf32>
      %sub3A_961 = vector.broadcast %reduce_max3A_960 : f32 to vector<16xf32>
      %sub3A_962 = arith.subf %max3A, %sub3A_961 : vector<16xf32>
      %exp3A = math.exp %sub3A_962 : vector<16xf32>
      %sub3A_963 = vector.broadcast %reduce_max3A_960 : f32 to vector<16xf32>
      %sub3A_964 = arith.subf %max3A_953, %sub3A_963 : vector<16xf32>
      %exp3A_965 = math.exp %sub3A_964 : vector<16xf32>
      %jit3A_966 = arith.constant 0.000000e+00 : f32
      %broadcast_in_dim3A_967 = vector.broadcast %jit3A_966 : f32 to vector<16xf32>
      %select_n3A_968 = arith.select %lt3A_908, %exp3A_965, %broadcast_in_dim3A_967 : vector<16xi1>, vector<16xf32>
      %add3A_969 = arith.addf %exp3A, %select_n3A_968 : vector<16xf32>
      %reduce_sum3A = arith.constant true
      %reduce_sum3A_970 = vector.broadcast %reduce_sum3A : i1 to vector<16xi1>
      %reduce_sum3A_971 = tpu.scan <sum>, %add3A_969 masked %reduce_sum3A_970 : vector<16xf32>, vector<16xi1> -> vector<16xf32>
      %reduce_sum3A_972 = vector.extract %reduce_sum3A_971[15] : f32 from vector<16xf32>
      %div3A_973 = vector.broadcast %reduce_sum3A_972 : f32 to vector<16xf32>
      %div3A_974 = arith.divf %exp3A, %div3A_973 : vector<16xf32>
      %div3A_975 = vector.broadcast %reduce_sum3A_972 : f32 to vector<16xf32>
      %div3A_976 = arith.divf %select_n3A_968, %div3A_975 : vector<16xf32>
      %add3A_977 = vector.broadcast %add3A_931 : i32 to vector<16xi32>
      %add3A_978 = arith.addi %mul3A_911, %add3A_977 : vector<16xi32>
      %add3A_979 = vector.broadcast %add3A_931 : i32 to vector<16xi32>
      %add3A_980 = arith.addi %mul3A_917, %add3A_979 : vector<16xi32>
      %broadcast_in_dim3A_981 = arith.constant 0.000000e+00 : f32
      %broadcast_in_dim3A_982 = vector.broadcast %broadcast_in_dim3A_981 : f32 to vector<16xf32>
      %add3A_983 = arith.constant 0 : i32
      %add3A_984 = vector.broadcast %add3A_983 : i32 to vector<16xi32>
      %add3A_985 = arith.addi %get3A_936, %add3A_984 : vector<16xi32>
      %gather3A_986 = tpu.vector_load_idx %arg8[%add3A_985] : memref<8064xf32, #tpu.memory_space<vmem>>[vector<16xi32>], vector<16xf32>,
      %add3A_987 = arith.constant 0 : i32
      %add3A_988 = vector.broadcast %add3A_987 : i32 to vector<16xi32>
      %add3A_989 = arith.addi %get3A_942, %add3A_988 : vector<16xi32>
      %gather3A_990 = tpu.vector_load_idx %arg8[%add3A_989] : memref<8064xf32, #tpu.memory_space<vmem>>[vector<16xi32>], vector<16xf32>,
      %mul3A_991 = arith.mulf %div3A_974, %gather3A_986 : vector<16xf32>
      %mul3A_992 = arith.mulf %div3A_976, %gather3A_990 : vector<16xf32>
      %add3A_993 = arith.constant 0 : i32
      %add3A_994 = vector.broadcast %add3A_993 : i32 to vector<16xi32>
      %add3A_995 = arith.addi %add3A_978, %add3A_994 : vector<16xi32>
      tpu.vector_store_idx %arg14[%add3A_995], %mul3A_991 : memref<63360xf32, #tpu.memory_space<vmem>>[vector<16xi32>], vector<16xf32>,
      %add3A_996 = arith.constant 0 : i32
      %add3A_997 = vector.broadcast %add3A_996 : i32 to vector<16xi32>
      %add3A_998 = arith.addi %add3A_980, %add3A_997 : vector<16xi32>
      tpu.vector_store_idx %arg14[%add3A_998], %mul3A_992 masked %lt3A_908 : memref<63360xf32, #tpu.memory_space<vmem>>[vector<16xi32>], vector<16xf32>, vector<16xi1>
      %add3A_999 = arith.addf %broadcast_in_dim3A_982, %mul3A_991 : vector<16xf32>
      %add3A_1000 = arith.addf %add3A_999, %mul3A_992 : vector<16xf32>
      %add3A_1001 = arith.constant 672 : i32
      %add3A_1002 = vector.broadcast %add3A_1001 : i32 to vector<16xi32>
      %add3A_1003 = arith.addi %get3A_936, %add3A_1002 : vector<16xi32>
      %gather3A_1004 = tpu.vector_load_idx %arg8[%add3A_1003] : memref<8064xf32, #tpu.memory_space<vmem>>[vector<16xi32>], vector<16xf32>,
      %add3A_1005 = arith.constant 672 : i32
      %add3A_1006 = vector.broadcast %add3A_1005 : i32 to vector<16xi32>
      %add3A_1007 = arith.addi %get3A_942, %add3A_1006 : vector<16xi32>
      %gather3A_1008 = tpu.vector_load_idx %arg8[%add3A_1007] : memref<8064xf32, #tpu.memory_space<vmem>>[vector<16xi32>], vector<16xf32>,
      %mul3A_1009 = arith.mulf %div3A_974, %gather3A_1004 : vector<16xf32>
      %mul3A_1010 = arith.mulf %div3A_976, %gather3A_1008 : vector<16xf32>
      %add3A_1011 = arith.constant 176 : i32
      %add3A_1012 = vector.broadcast %add3A_1011 : i32 to vector<16xi32>
      %add3A_1013 = arith.addi %add3A_978, %add3A_1012 : vector<16xi32>
      tpu.vector_store_idx %arg14[%add3A_1013], %mul3A_1009 : memref<63360xf32, #tpu.memory_space<vmem>>[vector<16xi32>], vector<16xf32>,
      %add3A_1014 = arith.constant 176 : i32
      %add3A_1015 = vector.broadcast %add3A_1014 : i32 to vector<16xi32>
      %add3A_1016 = arith.addi %add3A_980, %add3A_1015 : vector<16xi32>
      tpu.vector_store_idx %arg14[%add3A_1016], %mul3A_1010 masked %lt3A_908 : memref<63360xf32, #tpu.memory_space<vmem>>[vector<16xi32>], vector<16xf32>, vector<16xi1>
      %add3A_1017 = arith.addf %add3A_1000, %mul3A_1009 : vector<16xf32>
      %add3A_1018 = arith.addf %add3A_1017, %mul3A_1010 : vector<16xf32>
      %add3A_1019 = arith.constant 1344 : i32
      %add3A_1020 = vector.broadcast %add3A_1019 : i32 to vector<16xi32>
      %add3A_1021 = arith.addi %get3A_936, %add3A_1020 : vector<16xi32>
      %gather3A_1022 = tpu.vector_load_idx %arg8[%add3A_1021] : memref<8064xf32, #tpu.memory_space<vmem>>[vector<16xi32>], vector<16xf32>,
      %add3A_1023 = arith.constant 1344 : i32
      %add3A_1024 = vector.broadcast %add3A_1023 : i32 to vector<16xi32>
      %add3A_1025 = arith.addi %get3A_942, %add3A_1024 : vector<16xi32>
      %gather3A_1026 = tpu.vector_load_idx %arg8[%add3A_1025] : memref<8064xf32, #tpu.memory_space<vmem>>[vector<16xi32>], vector<16xf32>,
      %mul3A_1027 = arith.mulf %div3A_974, %gather3A_1022 : vector<16xf32>
      %mul3A_1028 = arith.mulf %div3A_976, %gather3A_1026 : vector<16xf32>
      %add3A_1029 = arith.constant 352 : i32
      %add3A_1030 = vector.broadcast %add3A_1029 : i32 to vector<16xi32>
      %add3A_1031 = arith.addi %add3A_978, %add3A_1030 : vector<16xi32>
      tpu.vector_store_idx %arg14[%add3A_1031], %mul3A_1027 : memref<63360xf32, #tpu.memory_space<vmem>>[vector<16xi32>], vector<16xf32>,
      %add3A_1032 = arith.constant 352 : i32
      %add3A_1033 = vector.broadcast %add3A_1032 : i32 to vector<16xi32>
      %add3A_1034 = arith.addi %add3A_980, %add3A_1033 : vector<16xi32>
      tpu.vector_store_idx %arg14[%add3A_1034], %mul3A_1028 masked %lt3A_908 : memref<63360xf32, #tpu.memory_space<vmem>>[vector<16xi32>], vector<16xf32>, vector<16xi1>
      %add3A_1035 = arith.addf %add3A_1018, %mul3A_1027 : vector<16xf32>
      %add3A_1036 = arith.addf %add3A_1035, %mul3A_1028 : vector<16xf32>
      %add3A_1037 = arith.constant 2016 : i32
      %add3A_1038 = vector.broadcast %add3A_1037 : i32 to vector<16xi32>
      %add3A_1039 = arith.addi %get3A_936, %add3A_1038 : vector<16xi32>
      %gather3A_1040 = tpu.vector_load_idx %arg8[%add3A_1039] : memref<8064xf32, #tpu.memory_space<vmem>>[vector<16xi32>], vector<16xf32>,
      %add3A_1041 = arith.constant 2016 : i32
      %add3A_1042 = vector.broadcast %add3A_1041 : i32 to vector<16xi32>
      %add3A_1043 = arith.addi %get3A_942, %add3A_1042 : vector<16xi32>
      %gather3A_1044 = tpu.vector_load_idx %arg8[%add3A_1043] : memref<8064xf32, #tpu.memory_space<vmem>>[vector<16xi32>], vector<16xf32>,
      %mul3A_1045 = arith.mulf %div3A_974, %gather3A_1040 : vector<16xf32>
      %mul3A_1046 = arith.mulf %div3A_976, %gather3A_1044 : vector<16xf32>
      %add3A_1047 = arith.constant 528 : i32
      %add3A_1048 = vector.broadcast %add3A_1047 : i32 to vector<16xi32>
      %add3A_1049 = arith.addi %add3A_978, %add3A_1048 : vector<16xi32>
      tpu.vector_store_idx %arg14[%add3A_1049], %mul3A_1045 : memref<63360xf32, #tpu.memory_space<vmem>>[vector<16xi32>], vector<16xf32>,
      %add3A_1050 = arith.constant 528 : i32
      %add3A_1051 = vector.broadcast %add3A_1050 : i32 to vector<16xi32>
      %add3A_1052 = arith.addi %add3A_980, %add3A_1051 : vector<16xi32>
      tpu.vector_store_idx %arg14[%add3A_1052], %mul3A_1046 masked %lt3A_908 : memref<63360xf32, #tpu.memory_space<vmem>>[vector<16xi32>], vector<16xf32>, vector<16xi1>
      %add3A_1053 = arith.addf %add3A_1036, %mul3A_1045 : vector<16xf32>
      %add3A_1054 = arith.addf %add3A_1053, %mul3A_1046 : vector<16xf32>
      %add3A_1055 = arith.constant 2688 : i32
      %add3A_1056 = vector.broadcast %add3A_1055 : i32 to vector<16xi32>
      %add3A_1057 = arith.addi %get3A_936, %add3A_1056 : vector<16xi32>
      %gather3A_1058 = tpu.vector_load_idx %arg8[%add3A_1057] : memref<8064xf32, #tpu.memory_space<vmem>>[vector<16xi32>], vector<16xf32>,
      %add3A_1059 = arith.constant 2688 : i32
      %add3A_1060 = vector.broadcast %add3A_1059 : i32 to vector<16xi32>
      %add3A_1061 = arith.addi %get3A_942, %add3A_1060 : vector<16xi32>
      %gather3A_1062 = tpu.vector_load_idx %arg8[%add3A_1061] : memref<8064xf32, #tpu.memory_space<vmem>>[vector<16xi32>], vector<16xf32>,
      %mul3A_1063 = arith.mulf %div3A_974, %gather3A_1058 : vector<16xf32>
      %mul3A_1064 = arith.mulf %div3A_976, %gather3A_1062 : vector<16xf32>
      %add3A_1065 = arith.constant 704 : i32
      %add3A_1066 = vector.broadcast %add3A_1065 : i32 to vector<16xi32>
      %add3A_1067 = arith.addi %add3A_978, %add3A_1066 : vector<16xi32>
      tpu.vector_store_idx %arg14[%add3A_1067], %mul3A_1063 : memref<63360xf32, #tpu.memory_space<vmem>>[vector<16xi32>], vector<16xf32>,
      %add3A_1068 = arith.constant 704 : i32
      %add3A_1069 = vector.broadcast %add3A_1068 : i32 to vector<16xi32>
      %add3A_1070 = arith.addi %add3A_980, %add3A_1069 : vector<16xi32>
      tpu.vector_store_idx %arg14[%add3A_1070], %mul3A_1064 masked %lt3A_908 : memref<63360xf32, #tpu.memory_space<vmem>>[vector<16xi32>], vector<16xf32>, vector<16xi1>
      %add3A_1071 = arith.addf %add3A_1054, %mul3A_1063 : vector<16xf32>
      %add3A_1072 = arith.addf %add3A_1071, %mul3A_1064 : vector<16xf32>
      %add3A_1073 = arith.constant 3360 : i32
      %add3A_1074 = vector.broadcast %add3A_1073 : i32 to vector<16xi32>
      %add3A_1075 = arith.addi %get3A_936, %add3A_1074 : vector<16xi32>
      %gather3A_1076 = tpu.vector_load_idx %arg8[%add3A_1075] : memref<8064xf32, #tpu.memory_space<vmem>>[vector<16xi32>], vector<16xf32>,
      %add3A_1077 = arith.constant 3360 : i32
      %add3A_1078 = vector.broadcast %add3A_1077 : i32 to vector<16xi32>
      %add3A_1079 = arith.addi %get3A_942, %add3A_1078 : vector<16xi32>
      %gather3A_1080 = tpu.vector_load_idx %arg8[%add3A_1079] : memref<8064xf32, #tpu.memory_space<vmem>>[vector<16xi32>], vector<16xf32>,
      %mul3A_1081 = arith.mulf %div3A_974, %gather3A_1076 : vector<16xf32>
      %mul3A_1082 = arith.mulf %div3A_976, %gather3A_1080 : vector<16xf32>
      %add3A_1083 = arith.constant 880 : i32
      %add3A_1084 = vector.broadcast %add3A_1083 : i32 to vector<16xi32>
      %add3A_1085 = arith.addi %add3A_978, %add3A_1084 : vector<16xi32>
      tpu.vector_store_idx %arg14[%add3A_1085], %mul3A_1081 : memref<63360xf32, #tpu.memory_space<vmem>>[vector<16xi32>], vector<16xf32>,
      %add3A_1086 = arith.constant 880 : i32
      %add3A_1087 = vector.broadcast %add3A_1086 : i32 to vector<16xi32>
      %add3A_1088 = arith.addi %add3A_980, %add3A_1087 : vector<16xi32>
      tpu.vector_store_idx %arg14[%add3A_1088], %mul3A_1082 masked %lt3A_908 : memref<63360xf32, #tpu.memory_space<vmem>>[vector<16xi32>], vector<16xf32>, vector<16xi1>
      %add3A_1089 = arith.addf %add3A_1072, %mul3A_1081 : vector<16xf32>
      %add3A_1090 = arith.addf %add3A_1089, %mul3A_1082 : vector<16xf32>
      %add3A_1091 = arith.constant 4032 : i32
      %add3A_1092 = vector.broadcast %add3A_1091 : i32 to vector<16xi32>
      %add3A_1093 = arith.addi %get3A_936, %add3A_1092 : vector<16xi32>
      %gather3A_1094 = tpu.vector_load_idx %arg8[%add3A_1093] : memref<8064xf32, #tpu.memory_space<vmem>>[vector<16xi32>], vector<16xf32>,
      %add3A_1095 = arith.constant 4032 : i32
      %add3A_1096 = vector.broadcast %add3A_1095 : i32 to vector<16xi32>
      %add3A_1097 = arith.addi %get3A_942, %add3A_1096 : vector<16xi32>
      %gather3A_1098 = tpu.vector_load_idx %arg8[%add3A_1097] : memref<8064xf32, #tpu.memory_space<vmem>>[vector<16xi32>], vector<16xf32>,
      %mul3A_1099 = arith.mulf %div3A_974, %gather3A_1094 : vector<16xf32>
      %mul3A_1100 = arith.mulf %div3A_976, %gather3A_1098 : vector<16xf32>
      %add3A_1101 = arith.constant 1056 : i32
      %add3A_1102 = vector.broadcast %add3A_1101 : i32 to vector<16xi32>
      %add3A_1103 = arith.addi %add3A_978, %add3A_1102 : vector<16xi32>
      tpu.vector_store_idx %arg14[%add3A_1103], %mul3A_1099 : memref<63360xf32, #tpu.memory_space<vmem>>[vector<16xi32>], vector<16xf32>,
      %add3A_1104 = arith.constant 1056 : i32
      %add3A_1105 = vector.broadcast %add3A_1104 : i32 to vector<16xi32>
      %add3A_1106 = arith.addi %add3A_980, %add3A_1105 : vector<16xi32>
      tpu.vector_store_idx %arg14[%add3A_1106], %mul3A_1100 masked %lt3A_908 : memref<63360xf32, #tpu.memory_space<vmem>>[vector<16xi32>], vector<16xf32>, vector<16xi1>
      %add3A_1107 = arith.addf %add3A_1090, %mul3A_1099 : vector<16xf32>
      %add3A_1108 = arith.addf %add3A_1107, %mul3A_1100 : vector<16xf32>
      %add3A_1109 = arith.constant 4704 : i32
      %add3A_1110 = vector.broadcast %add3A_1109 : i32 to vector<16xi32>
      %add3A_1111 = arith.addi %get3A_936, %add3A_1110 : vector<16xi32>
      %gather3A_1112 = tpu.vector_load_idx %arg8[%add3A_1111] : memref<8064xf32, #tpu.memory_space<vmem>>[vector<16xi32>], vector<16xf32>,
      %add3A_1113 = arith.constant 4704 : i32
      %add3A_1114 = vector.broadcast %add3A_1113 : i32 to vector<16xi32>
      %add3A_1115 = arith.addi %get3A_942, %add3A_1114 : vector<16xi32>
      %gather3A_1116 = tpu.vector_load_idx %arg8[%add3A_1115] : memref<8064xf32, #tpu.memory_space<vmem>>[vector<16xi32>], vector<16xf32>,
      %mul3A_1117 = arith.mulf %div3A_974, %gather3A_1112 : vector<16xf32>
      %mul3A_1118 = arith.mulf %div3A_976, %gather3A_1116 : vector<16xf32>
      %add3A_1119 = arith.constant 1232 : i32
      %add3A_1120 = vector.broadcast %add3A_1119 : i32 to vector<16xi32>
      %add3A_1121 = arith.addi %add3A_978, %add3A_1120 : vector<16xi32>
      tpu.vector_store_idx %arg14[%add3A_1121], %mul3A_1117 : memref<63360xf32, #tpu.memory_space<vmem>>[vector<16xi32>], vector<16xf32>,
      %add3A_1122 = arith.constant 1232 : i32
      %add3A_1123 = vector.broadcast %add3A_1122 : i32 to vector<16xi32>
      %add3A_1124 = arith.addi %add3A_980, %add3A_1123 : vector<16xi32>
      tpu.vector_store_idx %arg14[%add3A_1124], %mul3A_1118 masked %lt3A_908 : memref<63360xf32, #tpu.memory_space<vmem>>[vector<16xi32>], vector<16xf32>, vector<16xi1>
      %add3A_1125 = arith.addf %add3A_1108, %mul3A_1117 : vector<16xf32>
      %add3A_1126 = arith.addf %add3A_1125, %mul3A_1118 : vector<16xf32>
      %add3A_1127 = arith.constant 5376 : i32
      %add3A_1128 = vector.broadcast %add3A_1127 : i32 to vector<16xi32>
      %add3A_1129 = arith.addi %get3A_936, %add3A_1128 : vector<16xi32>
      %gather3A_1130 = tpu.vector_load_idx %arg8[%add3A_1129] : memref<8064xf32, #tpu.memory_space<vmem>>[vector<16xi32>], vector<16xf32>,
      %add3A_1131 = arith.constant 5376 : i32
      %add3A_1132 = vector.broadcast %add3A_1131 : i32 to vector<16xi32>
      %add3A_1133 = arith.addi %get3A_942, %add3A_1132 : vector<16xi32>
      %gather3A_1134 = tpu.vector_load_idx %arg8[%add3A_1133] : memref<8064xf32, #tpu.memory_space<vmem>>[vector<16xi32>], vector<16xf32>,
      %mul3A_1135 = arith.mulf %div3A_974, %gather3A_1130 : vector<16xf32>
      %mul3A_1136 = arith.mulf %div3A_976, %gather3A_1134 : vector<16xf32>
      %add3A_1137 = arith.constant 1408 : i32
      %add3A_1138 = vector.broadcast %add3A_1137 : i32 to vector<16xi32>
      %add3A_1139 = arith.addi %add3A_978, %add3A_1138 : vector<16xi32>
      tpu.vector_store_idx %arg14[%add3A_1139], %mul3A_1135 : memref<63360xf32, #tpu.memory_space<vmem>>[vector<16xi32>], vector<16xf32>,
      %add3A_1140 = arith.constant 1408 : i32
      %add3A_1141 = vector.broadcast %add3A_1140 : i32 to vector<16xi32>
      %add3A_1142 = arith.addi %add3A_980, %add3A_1141 : vector<16xi32>
      tpu.vector_store_idx %arg14[%add3A_1142], %mul3A_1136 masked %lt3A_908 : memref<63360xf32, #tpu.memory_space<vmem>>[vector<16xi32>], vector<16xf32>, vector<16xi1>
      %add3A_1143 = arith.addf %add3A_1126, %mul3A_1135 : vector<16xf32>
      %add3A_1144 = arith.addf %add3A_1143, %mul3A_1136 : vector<16xf32>
      %add3A_1145 = arith.constant 6048 : i32
      %add3A_1146 = vector.broadcast %add3A_1145 : i32 to vector<16xi32>
      %add3A_1147 = arith.addi %get3A_936, %add3A_1146 : vector<16xi32>
      %gather3A_1148 = tpu.vector_load_idx %arg8[%add3A_1147] : memref<8064xf32, #tpu.memory_space<vmem>>[vector<16xi32>], vector<16xf32>,
      %add3A_1149 = arith.constant 6048 : i32
      %add3A_1150 = vector.broadcast %add3A_1149 : i32 to vector<16xi32>
      %add3A_1151 = arith.addi %get3A_942, %add3A_1150 : vector<16xi32>
      %gather3A_1152 = tpu.vector_load_idx %arg8[%add3A_1151] : memref<8064xf32, #tpu.memory_space<vmem>>[vector<16xi32>], vector<16xf32>,
      %mul3A_1153 = arith.mulf %div3A_974, %gather3A_1148 : vector<16xf32>
      %mul3A_1154 = arith.mulf %div3A_976, %gather3A_1152 : vector<16xf32>
      %add3A_1155 = arith.constant 1584 : i32
      %add3A_1156 = vector.broadcast %add3A_1155 : i32 to vector<16xi32>
      %add3A_1157 = arith.addi %add3A_978, %add3A_1156 : vector<16xi32>
      tpu.vector_store_idx %arg14[%add3A_1157], %mul3A_1153 : memref<63360xf32, #tpu.memory_space<vmem>>[vector<16xi32>], vector<16xf32>,
      %add3A_1158 = arith.constant 1584 : i32
      %add3A_1159 = vector.broadcast %add3A_1158 : i32 to vector<16xi32>
      %add3A_1160 = arith.addi %add3A_980, %add3A_1159 : vector<16xi32>
      tpu.vector_store_idx %arg14[%add3A_1160], %mul3A_1154 masked %lt3A_908 : memref<63360xf32, #tpu.memory_space<vmem>>[vector<16xi32>], vector<16xf32>, vector<16xi1>
      %add3A_1161 = arith.addf %add3A_1144, %mul3A_1153 : vector<16xf32>
      %add3A_1162 = arith.addf %add3A_1161, %mul3A_1154 : vector<16xf32>
      %add3A_1163 = arith.constant 6720 : i32
      %add3A_1164 = vector.broadcast %add3A_1163 : i32 to vector<16xi32>
      %add3A_1165 = arith.addi %get3A_936, %add3A_1164 : vector<16xi32>
      %gather3A_1166 = tpu.vector_load_idx %arg8[%add3A_1165] : memref<8064xf32, #tpu.memory_space<vmem>>[vector<16xi32>], vector<16xf32>,
      %add3A_1167 = arith.constant 6720 : i32
      %add3A_1168 = vector.broadcast %add3A_1167 : i32 to vector<16xi32>
      %add3A_1169 = arith.addi %get3A_942, %add3A_1168 : vector<16xi32>
      %gather3A_1170 = tpu.vector_load_idx %arg8[%add3A_1169] : memref<8064xf32, #tpu.memory_space<vmem>>[vector<16xi32>], vector<16xf32>,
      %mul3A_1171 = arith.mulf %div3A_974, %gather3A_1166 : vector<16xf32>
      %mul3A_1172 = arith.mulf %div3A_976, %gather3A_1170 : vector<16xf32>
      %add3A_1173 = arith.constant 1760 : i32
      %add3A_1174 = vector.broadcast %add3A_1173 : i32 to vector<16xi32>
      %add3A_1175 = arith.addi %add3A_978, %add3A_1174 : vector<16xi32>
      tpu.vector_store_idx %arg14[%add3A_1175], %mul3A_1171 : memref<63360xf32, #tpu.memory_space<vmem>>[vector<16xi32>], vector<16xf32>,
      %add3A_1176 = arith.constant 1760 : i32
      %add3A_1177 = vector.broadcast %add3A_1176 : i32 to vector<16xi32>
      %add3A_1178 = arith.addi %add3A_980, %add3A_1177 : vector<16xi32>
      tpu.vector_store_idx %arg14[%add3A_1178], %mul3A_1172 masked %lt3A_908 : memref<63360xf32, #tpu.memory_space<vmem>>[vector<16xi32>], vector<16xf32>, vector<16xi1>
      %add3A_1179 = arith.addf %add3A_1162, %mul3A_1171 : vector<16xf32>
      %add3A_1180 = arith.addf %add3A_1179, %mul3A_1172 : vector<16xf32>
      %add3A_1181 = arith.constant 7392 : i32
      %add3A_1182 = vector.broadcast %add3A_1181 : i32 to vector<16xi32>
      %add3A_1183 = arith.addi %get3A_936, %add3A_1182 : vector<16xi32>
      %gather3A_1184 = tpu.vector_load_idx %arg8[%add3A_1183] : memref<8064xf32, #tpu.memory_space<vmem>>[vector<16xi32>], vector<16xf32>,
      %add3A_1185 = arith.constant 7392 : i32
      %add3A_1186 = vector.broadcast %add3A_1185 : i32 to vector<16xi32>
      %add3A_1187 = arith.addi %get3A_942, %add3A_1186 : vector<16xi32>
      %gather3A_1188 = tpu.vector_load_idx %arg8[%add3A_1187] : memref<8064xf32, #tpu.memory_space<vmem>>[vector<16xi32>], vector<16xf32>,
      %mul3A_1189 = arith.mulf %div3A_974, %gather3A_1184 : vector<16xf32>
      %mul3A_1190 = arith.mulf %div3A_976, %gather3A_1188 : vector<16xf32>
      %add3A_1191 = arith.constant 1936 : i32
      %add3A_1192 = vector.broadcast %add3A_1191 : i32 to vector<16xi32>
      %add3A_1193 = arith.addi %add3A_978, %add3A_1192 : vector<16xi32>
      tpu.vector_store_idx %arg14[%add3A_1193], %mul3A_1189 : memref<63360xf32, #tpu.memory_space<vmem>>[vector<16xi32>], vector<16xf32>,
      %add3A_1194 = arith.constant 1936 : i32
      %add3A_1195 = vector.broadcast %add3A_1194 : i32 to vector<16xi32>
      %add3A_1196 = arith.addi %add3A_980, %add3A_1195 : vector<16xi32>
      tpu.vector_store_idx %arg14[%add3A_1196], %mul3A_1190 masked %lt3A_908 : memref<63360xf32, #tpu.memory_space<vmem>>[vector<16xi32>], vector<16xf32>, vector<16xi1>
      %add3A_1197 = arith.addf %add3A_1180, %mul3A_1189 : vector<16xf32>
      %add3A_1198 = arith.addf %add3A_1197, %mul3A_1190 : vector<16xf32>
      %swap3A_1199 = arith.constant 0 : index
      %swap3A_1200 = tpu.vector_load %arg15[%swap3A_1199] {strides = array<i32>} : memref<16xf32, #tpu.memory_space<vmem>>, vector<16xf32>,
      tpu.vector_store %arg15[%swap3A_1199], %add3A_1198 {add = true, strides = array<i32>} : memref<16xf32, #tpu.memory_space<vmem>>, vector<16xf32>,
    }
    %scan3A_922 = arith.constant 176 : i32
    %mul3A_923 = arith.constant 63360 : i32
    %mul3A_924 = arith.muli %add3A, %mul3A_923 : i32
    "tpu.region"() ({
      %run_scoped3A = tpu.sem_alloc : memref<!tpu.dma_semaphore, #tpu.memory_space<semaphore_mem>>
      %dma_start3A = tpu.memref_slice %arg6[%mul3A_924] : memref<2027520xf32, #tpu.memory_space<hbm>> -> memref<63360xf32, #tpu.memory_space<hbm>>
      %dma_start3A_927 = tpu.memref_slice %arg6[%mul3A_924] : memref<2027520xf32, #tpu.memory_space<hbm>> -> memref<63360xf32, #tpu.memory_space<hbm>>
      tpu.enqueue_dma source(%arg14 : memref<63360xf32, #tpu.memory_space<vmem>>) target(%dma_start3A_927 : memref<63360xf32, #tpu.memory_space<hbm>>) target_semaphore(%run_scoped3A : memref<!tpu.dma_semaphore, #tpu.memory_space<semaphore_mem>>)
      %dma_wait3A = tpu.memref_slice %arg6[%mul3A_924] : memref<2027520xf32, #tpu.memory_space<hbm>> -> memref<63360xf32, #tpu.memory_space<hbm>>
      %dma_wait3A_928 = tpu.memref_slice %arg6[%mul3A_924] : memref<2027520xf32, #tpu.memory_space<hbm>> -> memref<63360xf32, #tpu.memory_space<hbm>>
      tpu.wait_dma2 semaphore(%run_scoped3A : memref<!tpu.dma_semaphore, #tpu.memory_space<semaphore_mem>>) src(%arg14 : memref<63360xf32, #tpu.memory_space<vmem>>) dst(%dma_wait3A_928 : memref<63360xf32, #tpu.memory_space<hbm>>)
      tpu.yield
    }) : () -> ()
    %mul3A_925 = arith.constant 16 : i32
    %mul3A_926 = arith.muli %add3A, %mul3A_925 : i32
    "tpu.region"() ({
      %run_scoped3A = tpu.sem_alloc : memref<!tpu.dma_semaphore, #tpu.memory_space<semaphore_mem>>
      %dma_start3A = tpu.memref_slice %arg7[%mul3A_926] : memref<512xf32, #tpu.memory_space<hbm>> -> memref<16xf32, #tpu.memory_space<hbm>>
      %dma_start3A_927 = tpu.memref_slice %arg7[%mul3A_926] : memref<512xf32, #tpu.memory_space<hbm>> -> memref<16xf32, #tpu.memory_space<hbm>>
      tpu.enqueue_dma source(%arg15 : memref<16xf32, #tpu.memory_space<vmem>>) target(%dma_start3A_927 : memref<16xf32, #tpu.memory_space<hbm>>) target_semaphore(%run_scoped3A : memref<!tpu.dma_semaphore, #tpu.memory_space<semaphore_mem>>)
      %dma_wait3A = tpu.memref_slice %arg7[%mul3A_926] : memref<512xf32, #tpu.memory_space<hbm>> -> memref<16xf32, #tpu.memory_space<hbm>>
      %dma_wait3A_928 = tpu.memref_slice %arg7[%mul3A_926] : memref<512xf32, #tpu.memory_space<hbm>> -> memref<16xf32, #tpu.memory_space<hbm>>
      tpu.wait_dma2 semaphore(%run_scoped3A : memref<!tpu.dma_semaphore, #tpu.memory_space<semaphore_mem>>) src(%arg15 : memref<16xf32, #tpu.memory_space<vmem>>) dst(%dma_wait3A_928 : memref<16xf32, #tpu.memory_space<hbm>>)
      tpu.yield
    }) : () -> ()
    return
  }
}

</mosaic_0001>

<sc_bundles>
// kernel: kernel.3.cloned.1.call-start
scs
__scs_entry_jumppad:
0x0: {  	(pc) =	sbr.rel $0x88, $3  }
0x1: {  	(tag) =	ssettag $0x0;
	lr =	simm.s32 $0x1  }
0x2: {  	[smem:$0x3F9D] =	sst lr;
	_ =	strace $0xD0000000  }
0x3: {  	_ = 	snop  }
0x4: {  	_ = 	snop  }
0x5: {  	_ = 	snop  }
0x6: {  	_ = 	snop  }
0x7: {  	_ = 	snop  }
__scs_overlays_trampoline_lowered:
0x8: {  	[smem:$0x3FAC] =	sst s0  }
0x9: {  	[smem:$0x3FAD] =	sst s1  }
0xa: {  	[smem:$0x3FAE] =	sst s2  }
0xb: {  	[smem:$0x3FAF] =	sst s3  }
0xc: {  	[smem:$0x3FB0] =	sst s4  }
0xd: {  	[smem:$0x3FB1] =	sst s5  }
0xe: {  	[smem:$0x3FB2] =	sst s6  }
0xf: {  	[smem:$0x3FB3] =	sst s7  }
0x10: {  	[smem:$0x3FB4] =	sst s8  }
0x11: {  	[smem:$0x3FB5] =	sst s9;
	s0 =	simm.s32 @!p0 $0x0  }
0x12: {  	s1 =	sld [smem:$0x3F9B];
	s0 =	simm.s32 @p0 $0x1  }
0x13: {  	[smem:$0x3FB6] =	sst s0;
	s0 =	simm.s32 @!p1 $0x0  }
0x14: {  	s2 =	sld [smem:$0x3F9A];
	s0 =	simm.s32 @p1 $0x1  }
0x15: {  	[smem:$0x3FB7] =	sst s0;
	s0 =	simm.s32 @!p2 $0x0  }
0x16: {  	s3 =	sld [smem:$0x3FDB];
	s0 =	simm.s32 @p2 $0x1  }
0x17: {  	s4 =	simm.s32 $0x1BF5;
	[smem:$0x3FB9] =	sst s0  }
0x18: {  	s0 =	sld [smem:$0x3F9C];
	_ =	swait.ge [sflag:s4], $0x0  }
0x19: {  	s7 =	sld [smem:$0x3F9D]  }
0x1a: {  	s8 =	sadd.s32 $0xFFFFE003, lr  }
0x1b: {  	s9 =	sadd.s32 $0xFFFFFEF7, lr;
	s5 =	simm.s32 $0xFFFFFFFF;
	p2 =	slt.u32 s8, $0xFFFFF086  }
0x1c: {  	p1 =	slt.u32 s9, $0xF7A;
	s5 =	simm.s32 @!p2 $0x0  }
0x1d: {  	s5 =	simm.s32 @p1 $0x1;
	p0 =	seq.s32 s7, s2  }
0x1e: {  	s7 =	smul.u32 @!p0 $0xF7A, s2;
	p2 =	seq.s32 @!p0 s5, $0x0  }
0x1f: {  	s9 =	smul.u32 $0xF7A, s1;
	s8 =	simm.s32 @!p0 $0x1BF5;
	p2 =	por !p2, p0  }
0x20: {  	[sflag:s8] =	ssyncset.s32 @!p0 $0xFFFFF086;
	s6 =	sadd.s32 @!p0 s3, s7;
	s7 =	simm.s32 @!p0 $0x108  }
0x21: {  	s3 =	sadd.s32 s3, s9;
	s6 =	sadd.s32 @!p0 $0x88, s6;
	s7 =	simm.s32 @p2 $0x1082  }
0x22: {  	[simem:s7], [sflag:s8] =	dma.local @!p0 [hbm:s6], $0xF7A  }
0x23: {  	s9 =	sor.u32 $0xD0000000, s2;
	s6 =	simm.s32 $0x108;
	_ =	swait.ge @!p0 [sflag:s8], $0x0  }
0x24: {  	s3 =	sadd.s32 $0x88, s3;
	s6 =	simm.s32 @!p1 $0x1082;
	[sflag:s4] =	ssyncset.s32 $0xFFFFF086  }
0x25: {  	[simem:s6], [sflag:s4] =	dma.local [hbm:s3], $0xF7A  }
0x26: {  	[smem:$0x3F9D] =	sst s1;
	(tag) =	ssettag s2;
	_ =	strace s9  }
0x27: {  	s1 =	sld [smem:$0x3FAD]  }
0x28: {  	s2 =	sld [smem:$0x3FAE]  }
0x29: {  	s4 =	sld [smem:$0x3FB0]  }
0x2a: {  	p0 =	seq.s32 s5, $0x0;
	s5 =	sld [smem:$0x3FB1]  }
0x2b: {  	s6 =	sld [smem:$0x3FB2]  }
0x2c: {  	s7 =	sld [smem:$0x3FB3]  }
0x2d: {  	s3 =	simm.s32 $0x108;
	s8 =	sld [smem:$0x3FB4]  }
0x2e: {  	s3 =	simm.s32 @!p0 $0x1082;
	s9 =	sld [smem:$0x3FB5]  }
0x2f: {  	lr =	sadd.s32 s0, s3;
	s0 =	sld [smem:$0x3FAC]  }
0x30: {  	s3 =	sld [smem:$0x3FAF]  }
0x31: {  	[smem:$0x3FB8] =	sst s10  }
0x32: {  	s10 =	sld [smem:$0x3FB6];
	_ =	sdelay $0x3  }
0x33: {  	p0 =	seq.s32 s10, $0x1;
	s10 =	sld [smem:$0x3FB8];
	_ =	sdelay $0x3  }
0x34: {  	[smem:$0x3FB8] =	sst s10  }
0x35: {  	s10 =	sld [smem:$0x3FB7];
	_ =	sdelay $0x3  }
0x36: {  	p1 =	seq.s32 s10, $0x1;
	s10 =	sld [smem:$0x3FB8];
	_ =	sdelay $0x3  }
0x37: {  	[smem:$0x3FB8] =	sst s10  }
0x38: {  	s10 =	sld [smem:$0x3FB9]  }
0x39: {  	_ = 	snop;
	(pc) =	sbr.ind lr, $3  }
0x3a: {  	_ = 	snop  }
0x3b: {  	_ = 	snop  }
0x3c: {  	p2 =	seq.s32 s10, $0x1;
	s10 =	sld [smem:$0x3FB8]  }
0x3d: {  	_ =	shalt  }
0x3e: {  	_ =	shalt  }
0x3f: {  	_ =	shalt  }
0x40: {  	_ =	shalt  }
0x41: {  	_ =	shalt  }
0x42: {  	_ =	shalt  }
0x43: {  	_ =	shalt  }
0x44: {  	_ =	shalt  }
0x45: {  	_ =	shalt  }
0x46: {  	_ =	shalt  }
0x47: {  	_ =	shalt  }
0x48: {  	_ =	shalt  }
0x49: {  	_ =	shalt  }
0x4a: {  	_ =	shalt  }
0x4b: {  	_ =	shalt  }
0x4c: {  	_ =	shalt  }
0x4d: {  	_ =	shalt  }
0x4e: {  	_ =	shalt  }
0x4f: {  	_ =	shalt  }
0x50: {  	_ =	shalt  }
0x51: {  	_ =	shalt  }
0x52: {  	_ =	shalt  }
0x53: {  	_ =	shalt  }
0x54: {  	_ =	shalt  }
0x55: {  	_ =	shalt  }
0x56: {  	_ =	shalt  }
0x57: {  	_ =	shalt  }
0x58: {  	_ =	shalt  }
0x59: {  	_ =	shalt  }
0x5a: {  	_ =	shalt  }
0x5b: {  	_ =	shalt  }
0x5c: {  	_ =	shalt  }
0x5d: {  	_ =	shalt  }
0x5e: {  	_ =	shalt  }
0x5f: {  	_ =	shalt  }
0x60: {  	_ =	shalt  }
0x61: {  	_ =	shalt  }
0x62: {  	_ =	shalt  }
0x63: {  	_ =	shalt  }
0x64: {  	_ =	shalt  }
0x65: {  	_ =	shalt  }
0x66: {  	_ =	shalt  }
0x67: {  	_ =	shalt  }
0x68: {  	_ =	shalt  }
0x69: {  	_ =	shalt  }
0x6a: {  	_ =	shalt  }
0x6b: {  	_ =	shalt  }
0x6c: {  	_ =	shalt  }
0x6d: {  	_ =	shalt  }
0x6e: {  	_ =	shalt  }
0x6f: {  	_ =	shalt  }
0x70: {  	_ =	shalt  }
0x71: {  	_ =	shalt  }
0x72: {  	_ =	shalt  }
0x73: {  	_ =	shalt  }
0x74: {  	_ =	shalt  }
0x75: {  	_ =	shalt  }
0x76: {  	_ =	shalt  }
0x77: {  	_ =	shalt  }
0x78: {  	_ =	shalt  }
0x79: {  	_ =	shalt  }
0x7a: {  	_ =	shalt  }
0x7b: {  	_ =	shalt  }
0x7c: {  	_ =	shalt  }
0x7d: {  	_ =	shalt  }
0x7e: {  	_ =	shalt  }
0x7f: {  	_ =	shalt  }
0x80: {  	_ =	shalt  }
0x81: {  	_ =	shalt  }
0x82: {  	_ =	shalt  }
0x83: {  	_ =	shalt  }
0x84: {  	_ =	shalt  }
0x85: {  	_ =	shalt  }
0x86: {  	_ =	shalt  }
0x87: {  	_ =	shalt  }
.Lfunc_end0:
.L_simem_size_0:
called_computation_lowered:
.L_overlay_start_0:
0x88: {  	s2 =	sld [smem:$0x3FD9]  }
0x89: {  	s3 =	sld [smem:$0x3FFE];
	_ =	sdelay $0x1  }
0x8a: {  	s1 =	srdreg.scid  }
0x8b: {  	s0 =	sand.u32 $0x1, s1  }
0x8c: {  	s14 =	sshll.u32 s0, $0xA;
	s2 =	sadd.s32 s3, s2  }
0x8d: {  	s2 =	sadd.s32 s2, s14  }
0x8e: {  	[smem:$0x3FC4] =	sst s2  }
0x8f: {  	_ = 	snop  }
0x90: {  	s2 =	sld [smem:$0x3FD0];
	_ =	sdelay $0x2  }
0x91: {  	s15 =	simm.s32 $0xA;
	s4 =	simm.s32 $0x10  }
0x92: {  	[smem:s4], [sflag:s15] =	dma.local [hbm:s2], $0x1  }
0x93: {  	_ =	swait.eq [sflag:s15], $0x1  }
0x94: {  	[sflag:s15] =	ssyncset.done $0x0  }
0x95: {  	[sflag:s15] =	ssyncadd.s32 $0xFFFFFFFF  }
0x96: {  	s16 =	sld [smem:$0x10];
	(tm) =	ssettm $0x1  }
0x97: {  	s17 =	sld [smem:$0x3FFB];
	_ =	sdelay $0x3  }
0x98: {  	_ =	strace s17  }
0x99: {  	s3 =	sld [smem:$0x3FFC];
	_ =	sdelay $0x3  }
0x9a: {  	_ =	strace s3  }
0x9b: {  	s3 =	sld [smem:$0x3FFD];
	_ =	sdelay $0x3  }
0x9c: {  	_ =	strace s3  }
0x9d: {  	_ =	strace $0x8FFFFFFF  }
0x9e: {  	s18 =	sld [smem:$0x3FDB];
	_ =	sdelay $0x1  }
0x9f: {  	s19 =	simm.s32 $_scs_section_size  }
0xa0: {  	s5 =	simm.s32 $_size__tile_overlayer_lowered;
	s6 =	simm.s32 $_tile_overlayer_lowered  }
0xa1: {  	s22 =	simm.s32 $0x1BFF;
	s21 =	sshll.u32 s6, $0x1;
	s3 =	sadd.s32 s19, s18  }
0xa2: {  	s7 =	simm.s32 $0x0;
	s20 =	sshll.u32 s5, $0x1;
	s5 =	sadd.s32 s21, s3  }
0xa3: {  	[timem:s7], [sflag:s22] =	dma.local [hbm:s5], s20  }
0xa4: {  	_ =	swait.ge [sflag:s22], s20  }
0xa5: {  	s4 =	ssub.s32 $0x0, s20;
	[sflag:s22] =	ssyncset.done $0x0  }
0xa6: {  	[sflag:s22] =	ssyncadd.s32 s4;
	_ =	sdelay $0x1  }
0xa7: {  	s23 =	simm.s32 $0x1B8B  }
0xa8: {  	_ =	swait.ge [sflag:s23], $0x1  }
0xa9: {  	[sflag:s23] =	ssyncset.done $0x0  }
0xaa: {  	s25 =	simm.s32 $0x1B8E;
	s24 =	sld [smem:$0x3FFE];
	[sflag:s23] =	ssyncadd.s32 $0xFFFFFFFF  }
0xab: {  	s26 =	simm.s32 $execute0_lowered;
	[smem:$0x3FD2] =	sst s25  }
0xac: {  	s5 =	sshll.u32 s26, $0x1;
	_ =	strace $0x80000046;
	[dreg:$0x1] =	wrdreg $0xFFFFFFFF  }
0xad: {  	s28 =	simm.s32 $_size_execute0_lowered;
	s3 =	sadd.s32 s3, s5;
	[dreg:$0x0] =	wrdreg $0x0  }
0xae: {  	s5 =	sshll.u32 s28, $0x1;
	[dreg:$0x2] =	wrdreg s3  }
0xaf: {  	[dreg:$0x3] =	wrdreg s5  }
0xb0: {  	[dreg:$0x4] =	wrdreg $0xC0  }
0xb1: {  	_ =	task [dreg:s7], $0x5FFFF  }
0xb2: {  	[dreg:$0x1] =	wrdreg $0xFFFFFFFF  }
0xb3: {  	[dreg:$0x0] =	wrdreg $0x60  }
0xb4: {  	[dreg:$0x2] =	wrdreg s24  }
0xb5: {  	[dreg:$0x3] =	wrdreg s16  }
0xb6: {  	[dreg:$0x4] =	wrdreg $0x9  }
0xb7: {  	_ =	task.clear_ibuf [dreg:s7], $0x5FFFF;
	_ =	strace $0x90000046  }
0xb8: {  	s29 =	simm.s32 $0x9;
	_ =	strace $0x80000048  }
0xb9: {  	_ =	swait.ge [sflag:s29], $0x1  }
0xba: {  	[sflag:s29] =	ssyncadd.s32 $0xFFFFFFFF  }
0xbb: {  	_ =	strace $0x90000048  }
0xbc: {  	_ =	sfence  }
0xbd: {  	s30 =	sld [smem:$0x0];
	_ =	sdelay $0x2  }
0xbe: {  	s31 =	sshll.u32 s1, $0xD;
	s1 =	sshrl.u32 s1, $0x2  }
0xbf: {  	s3 =	sand.u32 $0x4000, s31;
	s1 =	sadd.s32 s1, s30  }
0xc0: {  	s0 =	sor.u32 s3, s0;
	s1 =	sshll.u32 s1, $0x11  }
0xc1: {  	s0 =	sor.u32 s1, s0  }
0xc2: {  	s0 =	sadd.s32 $0x8F2B, s0  }
0xc3: {  	[sflag:s0] =	ssyncadd.remote.s32 $0x1  }
0xc4: {  	_ =	sfence.sel $0xFFFF  }
0xc5: {  	[dreg:$0x0] =	wrdreg $0xFFFFFFFF;
	(pc) =	sbr.abs _section_cstart, $3  }
0xc6: {  	[dreg:$0x1] =	wrdreg $0xFFFFFFFF  }
0xc7: {  	_ =	task.clear_ibuf [dreg:s7], $0x2FFFF;
	_ =	strace $0x9FFFFFFF  }
0xc8: {  	(tm) =	ssettm $0x7FFFFFFF  }
0xc9: {  	_ =	shalt  }
tec
execute0_lowered:
.L_overlay_start_1:
0x0: {  	(tag) =	ssettag $0x1  }
0x1: {  	s0 =	srdreg.scid;
	s1 =	stileid.u32  }
0x2: {  	s5 =	sand.u32 $0x1, s0;
	s20 =	sshll.u32 s1, $0x1  }
0x3: {  	s14 =	sor.u32 s5, s20  }
0x4: {  	s0 =	smul.u32 $0xB0, s14  }
0x5: {  	s6 =	rddreg [dreg:$0x0];
	s2 =	simm.s32 $0x0;
	s28 =	simm.s32 $0x3580  }
0x6: {  	s29 =	simm.s32 $0x3B80;
	s1 =	rddreg [dreg:$0x1];
	s3 =	smulhi.u32 $0xC9A633FD, s0  }
0x7: {  	s30 =	simm.s32 $0x13300;
	s31 =	simm.s32 $0x0;
	[smem:$0x7FF] =	sst s2  }
0x8: {  	s16 =	sadd.s32 $0xE00, s6;
	s4 =	smul.u32 $0x2C0, s14;
	s3 =	sshrl.u32 s3, $0x8  }
0x9: {  	s5 =	ssub.s32 $0x2, s5;
	s8 =	sshll.u32 s14, $0x1;
	s7 =	smul.u32 $0x145, s3  }
0xa: {  	_ =	strace $0x80000047;
	s22 =	sshrl.u32 s5, $0x1;
	s21 =	sand.u32 $0x1FFFFFFE, s8  }
0xb: {  	s17 =	sadd.s32 s4, s6;
	s4 =	sadd.s32 $0xC00, s6;
	s18 =	sand.u32 $0xFFFFFFF0, s7  }
0xc: {  	s20 =	sadd.s32 s21, s6;
	s21 =	ssub.s32 s5, s22;
	p0 =	slt.s32 s18, $0x1360  }
0xd: {  	s17 =	sadd.s32 $0x3000, s17;
	s20 =	sadd.s32 $0x8800, s20;
	s18 =	simm.s32 @!p0 $0x1360  }
0xe: {  	s21 =	smax.u32 s21, $0x1;
	s3 =	sadd.s32 $0xA00, s6;
	s23 =	sshrl.u32 s18, $0x3  }
0xf: {  	s24 =	sadd.s32 $0x1600, s18;
	s25 =	sadd.s32 $0x2C00, s18;
	s26 =	sadd.s32 $0x4200, s18  }
0x10: {  	s9 =	sadd.s32 $0x5800, s18;
	s10 =	sadd.s32 $0x6E00, s18;
	s11 =	sadd.s32 $0x8400, s18  }
0x11: {  	v0 =	vlaneseq.u32;
	s12 =	sadd.s32 $0x9A00, s18;
	s13 =	sadd.s32 $0xB000, s18;
	s15 =	sadd.s32 $0xC600, s18  }
0x12: {  	v0 =	vmul.u32 $0x840, v0;
	s19 =	sadd.s32 $0xDC00, s18;
	s22 =	sadd.s32 $0xF200, s18;
	s18 =	ssub.s32 s0, s18  }
0x13: {  	v1 =	vimm.f32 $0.0e+00;
	s5 =	sadd.s32 s16, s23;
	s6 =	sshrl.u32 s24, $0x3;
	s7 =	sshrl.u32 s25, $0x3  }
0x14: {  	vm0 =	vmmov $0x3fff;
	v2 =	vadd.s32 $0x8400, v0;
	v3 =	vadd.s32 $0xB0, v0;
	s8 =	sshrl.u32 s26, $0x3;
	s9 =	sshrl.u32 s9, $0x3;
	s10 =	sshrl.u32 s10, $0x3  }
0x15: {  	v4 =	vadd.s32 $0x84B0, v0;
	v5 =	vadd.s32 $0x160, v0;
	v6 =	vadd.s32 $0x8560, v0;
	s11 =	sshrl.u32 s11, $0x3;
	s12 =	sshrl.u32 s12, $0x3;
	s13 =	sshrl.u32 s13, $0x3  }
0x16: {  	v7 =	vadd.s32 $0x210, v0;
	v8 =	vadd.s32 $0x8610, v0;
	v9 =	vadd.s32 $0x2C0, v0;
	s15 =	sshrl.u32 s15, $0x3;
	s19 =	sshrl.u32 s19, $0x3;
	s22 =	sshrl.u32 s22, $0x3  }
0x17: {  	v10 =	vadd.s32 $0x86C0, v0;
	v11 =	vadd.s32 $0x370, v0;
	v12 =	vadd.s32 $0x8770, v0;
	s23 =	smul.u32 $0x1EF0, s14;
	s26 =	simm.s32 $0x3880;
	s6 =	sadd.s32 s16, s6  }
0x18: {  	v13 =	vadd.s32 $0x420, v0;
	v14 =	vadd.s32 $0x8820, v0;
	v15 =	vadd.s32 $0x4D0, v0;
	s7 =	sadd.s32 s16, s7;
	s8 =	sadd.s32 s16, s8;
	s9 =	sadd.s32 s16, s9  }
0x19: {  	v16 =	vadd.s32 $0x88D0, v0;
	v17 =	vadd.s32 $0x580, v0;
	v18 =	vadd.s32 $0x8980, v0;
	s10 =	sadd.s32 s16, s10;
	s11 =	sadd.s32 s16, s11;
	s12 =	sadd.s32 s16, s12  }
0x1a: {  	v19 =	vadd.s32 $0x630, v0;
	v20 =	vadd.s32 $0x8A30, v0;
	v21 =	vadd.s32 $0x6E0, v0;
	s13 =	sadd.s32 s16, s13;
	s14 =	sadd.s32 s16, s15;
	s15 =	sadd.s32 s16, s19  }
0x1b: {  	v22 =	vadd.s32 $0x8AE0, v0;
	v23 =	vadd.s32 $0x790, v0;
	v24 =	vadd.s32 $0x8B90, v0;
	s16 =	sadd.s32 s16, s22;
	s22 =	simm.s32 $0x1;
	s19 =	sadd.s32 s1, s23  }
.LBB2_1:
0x1c: {  	[tilespmem:s2], [sflag:$0x1] =	stream.linear.gather [hbm4b:s5+s2], $0x2A0, $0x38;
	[tilespmem:$0x13380] =	vst v63  }
0x1d: {  	_ =	swait.ge [sflag:s22], $0x2A0  }
0x1e: {  	[sflag:s22] =	ssyncset.done $0x0  }
0x1f: {  	s0 =	simm.s32 $0x2A0;
	[sflag:s22] =	ssyncadd.s32 $0xFFFFFD60  }
0x20: {  	[tilespmem:s0], [sflag:$0x1] =	stream.linear.gather [hbm4b:s6+s2], $0x2A0, $0x38;
	[tilespmem:$0x13380] =	vst v63  }
0x21: {  	_ =	swait.ge [sflag:s22], $0x2A0  }
0x22: {  	[sflag:s22] =	ssyncset.done $0x0  }
0x23: {  	s24 =	simm.s32 $0x540;
	[sflag:s22] =	ssyncadd.s32 $0xFFFFFD60  }
0x24: {  	[tilespmem:s24], [sflag:$0x1] =	stream.linear.gather [hbm4b:s7+s2], $0x2A0, $0x38;
	[tilespmem:$0x13380] =	vst v63  }
0x25: {  	_ =	swait.ge [sflag:s22], $0x2A0  }
0x26: {  	[sflag:s22] =	ssyncset.done $0x0  }
0x27: {  	s25 =	simm.s32 $0x7E0;
	[sflag:s22] =	ssyncadd.s32 $0xFFFFFD60  }
0x28: {  	[tilespmem:s25], [sflag:$0x1] =	stream.linear.gather [hbm4b:s8+s2], $0x2A0, $0x38;
	[tilespmem:$0x13380] =	vst v63  }
0x29: {  	_ =	swait.ge [sflag:s22], $0x2A0  }
0x2a: {  	[sflag:s22] =	ssyncset.done $0x0  }
0x2b: {  	s1 =	simm.s32 $0xA80;
	[sflag:s22] =	ssyncadd.s32 $0xFFFFFD60  }
0x2c: {  	[tilespmem:s1], [sflag:$0x1] =	stream.linear.gather [hbm4b:s9+s2], $0x2A0, $0x38;
	[tilespmem:$0x13380] =	vst v63  }
0x2d: {  	_ =	swait.ge [sflag:s22], $0x2A0  }
0x2e: {  	[sflag:s22] =	ssyncset.done $0x0  }
0x2f: {  	s23 =	simm.s32 $0xD20;
	[sflag:s22] =	ssyncadd.s32 $0xFFFFFD60  }
0x30: {  	[tilespmem:s23], [sflag:$0x1] =	stream.linear.gather [hbm4b:s10+s2], $0x2A0, $0x38;
	[tilespmem:$0x13380] =	vst v63  }
0x31: {  	_ =	swait.ge [sflag:s22], $0x2A0  }
0x32: {  	[sflag:s22] =	ssyncset.done $0x0  }
0x33: {  	s0 =	simm.s32 $0xFC0;
	[sflag:s22] =	ssyncadd.s32 $0xFFFFFD60  }
0x34: {  	[tilespmem:s0], [sflag:$0x1] =	stream.linear.gather [hbm4b:s11+s2], $0x2A0, $0x38;
	[tilespmem:$0x13380] =	vst v63  }
0x35: {  	_ =	swait.ge [sflag:s22], $0x2A0  }
0x36: {  	[sflag:s22] =	ssyncset.done $0x0  }
0x37: {  	s1 =	simm.s32 $0x1260;
	[sflag:s22] =	ssyncadd.s32 $0xFFFFFD60  }
0x38: {  	[tilespmem:s1], [sflag:$0x1] =	stream.linear.gather [hbm4b:s12+s2], $0x2A0, $0x38;
	[tilespmem:$0x13380] =	vst v63  }
0x39: {  	_ =	swait.ge [sflag:s22], $0x2A0  }
0x3a: {  	[sflag:s22] =	ssyncset.done $0x0  }
0x3b: {  	s24 =	simm.s32 $0x1500;
	[sflag:s22] =	ssyncadd.s32 $0xFFFFFD60  }
0x3c: {  	[tilespmem:s24], [sflag:$0x1] =	stream.linear.gather [hbm4b:s13+s2], $0x2A0, $0x38;
	[tilespmem:$0x13380] =	vst v63  }
0x3d: {  	_ =	swait.ge [sflag:s22], $0x2A0  }
0x3e: {  	[sflag:s22] =	ssyncset.done $0x0  }
0x3f: {  	s25 =	simm.s32 $0x17A0;
	[sflag:s22] =	ssyncadd.s32 $0xFFFFFD60  }
0x40: {  	[tilespmem:s25], [sflag:$0x1] =	stream.linear.gather [hbm4b:s14+s2], $0x2A0, $0x38;
	[tilespmem:$0x13380] =	vst v63  }
0x41: {  	_ =	swait.ge [sflag:s22], $0x2A0  }
0x42: {  	[sflag:s22] =	ssyncset.done $0x0  }
0x43: {  	s23 =	simm.s32 $0x1A40;
	[sflag:s22] =	ssyncadd.s32 $0xFFFFFD60  }
0x44: {  	[tilespmem:s23], [sflag:$0x1] =	stream.linear.gather [hbm4b:s15+s2], $0x2A0, $0x38;
	[tilespmem:$0x13380] =	vst v63  }
0x45: {  	_ =	swait.ge [sflag:s22], $0x2A0  }
0x46: {  	[sflag:s22] =	ssyncset.done $0x0  }
0x47: {  	s24 =	simm.s32 $0x1CE0;
	[sflag:s22] =	ssyncadd.s32 $0xFFFFFD60  }
0x48: {  	[tilespmem:s24], [sflag:$0x1] =	stream.linear.gather [hbm4b:s16+s2], $0x2A0, $0x38;
	[tilespmem:$0x13380] =	vst v63  }
0x49: {  	_ =	swait.ge [sflag:s22], $0x2A0  }
0x4a: {  	[sflag:s22] =	ssyncset.done $0x0  }
0x4b: {  	s25 =	simm.s32 $0x1F80;
	[sflag:s22] =	ssyncadd.s32 $0xFFFFFD60  }
0x4c: {  	[tilespmem:s25], [sflag:$0x1] =	stream.linear.gather [hbm4b:s17+s2], $0x1600, $0x38;
	[tilespmem:$0x13380] =	vst v63  }
0x4d: {  	_ =	swait.ge [sflag:s22], $0x1600  }
0x4e: {  	[sflag:s22] =	ssyncset.done $0x0  }
0x4f: {  	s23 =	simm.s32 $0x3980;
	[sflag:s22] =	ssyncadd.s32 $0xFFFFEA00  }
0x50: {  	[tilespmem:s23], [sflag:$0x1] =	stream.linear.gather [hbm4b:s3+s2], $0x100, $0x38;
	[tilespmem:$0x13380] =	vst v63  }
0x51: {  	_ =	swait.ge [sflag:s22], $0x100  }
0x52: {  	[sflag:s22] =	ssyncset.done $0x0  }
0x53: {  	s24 =	simm.s32 $0x3A80;
	[sflag:s22] =	ssyncadd.s32 $0xFFFFFF00  }
0x54: {  	[tilespmem:s24], [sflag:$0x1] =	stream.linear.gather [hbm4b:s4+s2], $0x100, $0x38;
	[tilespmem:$0x13380] =	vst v63  }
0x55: {  	_ =	swait.ge [sflag:s22], $0x100  }
0x56: {  	[sflag:s22] =	ssyncset.done $0x0  }
0x57: {  	[sflag:s22] =	ssyncadd.s32 $0xFFFFFF00  }
0x58: {  	v27 =	vld [tilespmem:$0x3980]  }
0x59: {  	v28 =	vld [tilespmem:$0x3990]  }
0x5a: {  	v26 =	vld [tilespmem:$0x39A0]  }
0x5b: {  	v41 =	vld [tilespmem:$0x3A80]  }
0x5c: {  	v42 =	vld [tilespmem:$0x3A90]  }
0x5d: {  	v29 =	vld [tilespmem:s0+$0xFFFFF040]  }
0x5e: {  	v30 =	vld [tilespmem:s0+$0xFFFFF2E0]  }
0x5f: {  	v39 =	vld [tilespmem:$0x3AA0]  }
0x60: {  	v31 =	vld [tilespmem:s0+$0xFFFFF580]  }
0x61: {  	v38 =	vld [tilespmem:$0x3AB0]  }
0x62: {  	v32 =	vld [tilespmem:s0+$0xFFFFF820]  }
0x63: {  	s25 =	sand.u32 $0x3F0, s2;
	v37 =	vld [tilespmem:$0x3AC0];
	v29 =	vmul.f32 v29, v41;
	v30 =	vmul.f32 v30, v42  }
0x64: {  	v33 =	vld [tilespmem:s25+$0xA80]  }
0x65: {  	v40 =	vld [tilespmem:$0x3AD0];
	v29 =	vadd.f32 v30, v29;
	v30 =	vmul.f32 v31, v39  }
0x66: {  	v31 =	vld [tilespmem:s0+$0xFFFFFD60]  }
0x67: {  	v43 =	vld [tilespmem:$0x3AE0];
	v29 =	vadd.f32 v30, v29;
	v30 =	vmul.f32 v32, v38  }
0x68: {  	v61 =	vld [tilespmem:s0+$0x0]  }
0x69: {  	v44 =	vld [tilespmem:$0x3AF0];
	v29 =	vadd.f32 v30, v29;
	v30 =	vmul.f32 v33, v37  }
0x6a: {  	v62 =	vld [tilespmem:s0+$0x2A0]  }
0x6b: {  	v45 =	vld [tilespmem:$0x3B00];
	v29 =	vadd.f32 v30, v29;
	v30 =	vmul.f32 v31, v40  }
0x6c: {  	v31 =	vld [tilespmem:s25+$0x1500]  }
0x6d: {  	v46 =	vld [tilespmem:$0x3B10];
	v29 =	vadd.f32 v30, v29;
	v30 =	vmul.f32 v61, v43  }
0x6e: {  	v63 =	vld [tilespmem:s0+$0x7E0]  }
0x6f: {  	v47 =	vld [tilespmem:$0x3B20];
	v29 =	vadd.f32 v30, v29;
	v30 =	vmul.f32 v62, v44  }
0x70: {  	v34 =	vld [tilespmem:s0+$0xA80]  }
0x71: {  	v48 =	vld [tilespmem:$0x3B30];
	v29 =	vadd.f32 v30, v29;
	v30 =	vmul.f32 v31, v45  }
0x72: {  	v49 =	vld [tilespmem:s0+$0xD20]  }
0x73: {  	v25 =	vld [tilespmem:$0x39B0];
	v29 =	vadd.f32 v30, v29;
	v30 =	vmul.f32 v63, v46  }
0x74: {  	v35 =	vld [tilespmem:$0x39C0]  }
0x75: {  	v36 =	vld [tilespmem:$0x39D0];
	v29 =	vadd.f32 v30, v29;
	v30 =	vmul.f32 v34, v47  }
0x76: {  	v32 =	vld [tilespmem:$0x3A10]  }
0x77: {  	v49 =	vmul.f32 v49, v48;
	v33 =	vld [tilespmem:$0x39E0];
	v30 =	vadd.f32 v30, v29  }
0x78: {  	v31 =	vld [tilespmem:$0x3A00]  }
0x79: {  	v34 =	vld [tilespmem:$0x39F0];
	v49 =	vadd.f32 v49, v30  }
0x7a: {  	v29 =	vld [tilespmem:$0x3A20]  }
0x7b: {  	s1 =	simm.s32 $0xFD0;
	v30 =	vld [tilespmem:$0x3A30];
	[tilespmem:s28+$0x0] =	vst v49  }
0x7c: {  	v49 =	vld [tilespmem:s1+$0xFFFFF040]  }
0x7d: {  	s23 =	simm.s32 $0x10;
	s24 =	simm.s32 $0x20;
	s0 =	simm.s32 $0x3580;
	v50 =	vld [tilespmem:s1+$0xFFFFF2E0]  }
.LBB2_2:
0x7e: {  	p0 =	sne.s32 s24, $0x290  }
0x7f: {  	v51 =	vld [tilespmem:s1+$0xFFFFF580];
	_ =	sdelay $0x1  }
0x80: {  	v52 =	vld [tilespmem:s1+$0xFFFFF820]  }
0x81: {  	s25 =	sand.u32 $0x3F0, s23;
	s23 =	smov.u32 s24;
	v49 =	vmul.f32 v49, v41;
	v50 =	vmul.f32 v50, v42  }
0x82: {  	v53 =	vld [tilespmem:s25+$0xA80]  }
0x83: {  	v49 =	vadd.f32 v50, v49;
	v50 =	vmul.f32 v51, v39  }
0x84: {  	v51 =	vld [tilespmem:s1+$0xFFFFFD60]  }
0x85: {  	v49 =	vadd.f32 v50, v49;
	v50 =	vmul.f32 v52, v38  }
0x86: {  	v52 =	vld [tilespmem:s1+$0x0]  }
0x87: {  	v49 =	vadd.f32 v50, v49;
	v50 =	vmul.f32 v53, v37  }
0x88: {  	v53 =	vld [tilespmem:s1+$0x2A0]  }
0x89: {  	v49 =	vadd.f32 v50, v49;
	v50 =	vmul.f32 v51, v40  }
0x8a: {  	v51 =	vld [tilespmem:s25+$0x1500]  }
0x8b: {  	v49 =	vadd.f32 v50, v49;
	v50 =	vmul.f32 v52, v43  }
0x8c: {  	v52 =	vld [tilespmem:s1+$0x7E0]  }
0x8d: {  	v49 =	vadd.f32 v50, v49;
	v50 =	vmul.f32 v53, v44  }
0x8e: {  	v53 =	vld [tilespmem:s1+$0xA80]  }
0x8f: {  	v49 =	vadd.f32 v50, v49;
	v50 =	vmul.f32 v51, v45  }
0x90: {  	v51 =	vld [tilespmem:s1+$0xD20]  }
0x91: {  	v49 =	vadd.f32 v50, v49;
	v50 =	vmul.f32 v52, v46;
	_ =	sdelay $0x1  }
0x92: {  	v49 =	vadd.f32 v50, v49;
	v50 =	vmul.f32 v53, v47;
	_ =	sdelay $0x1  }
0x93: {  	v49 =	vadd.f32 v50, v49;
	v50 =	vmul.f32 v51, v48;
	_ =	sdelay $0x1  }
.Ltmp0:
0x94: {  	v49 =	vadd.f32 v50, v49;
	(pc) =	sbr.rel @p0 .LBB2_2-.Ltmp0, $4  }
0x95: {  	s0 =	sadd.s32 $0x10, s0  }
0x96: {  	s1 =	sadd.s32 $0x10, s1;
	[tilespmem:s0+$0x0] =	vst v49  }
0x97: {  	v49 =	vld [tilespmem:s1+$0xFFFFF040]  }
0x98: {  	s24 =	sadd.s32 $0x10, s24;
	v50 =	vld [tilespmem:s1+$0xFFFFF2E0]  }
0x99: {  	_ = 	snop  }
0x9a: {  	v51 =	vld [tilespmem:s1+$0xFFFFF580];
	_ =	sdelay $0x1  }
0x9b: {  	v52 =	vld [tilespmem:s1+$0xFFFFF820]  }
0x9c: {  	s23 =	sand.u32 $0x3F0, s23;
	v41 =	vmul.f32 v49, v41;
	v42 =	vmul.f32 v50, v42  }
0x9d: {  	v56 =	vld [tilespmem:s23+$0xA80]  }
0x9e: {  	v39 =	vmul.f32 v51, v39;
	v41 =	vadd.f32 v42, v41  }
0x9f: {  	v57 =	vld [tilespmem:s1+$0xFFFFFD60]  }
0xa0: {  	v38 =	vmul.f32 v52, v38;
	v39 =	vadd.f32 v39, v41  }
0xa1: {  	v58 =	vld [tilespmem:s1+$0x0]  }
0xa2: {  	v37 =	vmul.f32 v56, v37;
	v38 =	vadd.f32 v38, v39  }
0xa3: {  	v59 =	vld [tilespmem:s1+$0x2A0]  }
0xa4: {  	v60 =	vmul.f32 v57, v40;
	v37 =	vadd.f32 v37, v38  }
0xa5: {  	v61 =	vld [tilespmem:s23+$0x1500]  }
0xa6: {  	v62 =	vmul.f32 v58, v43;
	v37 =	vadd.f32 v60, v37  }
0xa7: {  	v63 =	vld [tilespmem:s1+$0x7E0]  }
0xa8: {  	v43 =	vmul.f32 v59, v44;
	v37 =	vadd.f32 v62, v37  }
0xa9: {  	v44 =	vld [tilespmem:s1+$0xA80]  }
0xaa: {  	v49 =	vmul.f32 v61, v45;
	v37 =	vadd.f32 v43, v37  }
0xab: {  	v50 =	vld [tilespmem:s1+$0xD20]  }
0xac: {  	v51 =	vmul.f32 v63, v46;
	v37 =	vadd.f32 v49, v37;
	_ =	sdelay $0x1  }
0xad: {  	v52 =	vmul.f32 v44, v47;
	v37 =	vadd.f32 v51, v37;
	_ =	sdelay $0x1  }
0xae: {  	v53 =	vmul.f32 v50, v48;
	v37 =	vadd.f32 v52, v37;
	_ =	sdelay $0x1  }
0xaf: {  	v37 =	vadd.f32 v53, v37  }
0xb0: {  	s0 =	sadd.s32 $0x10, s0  }
0xb1: {  	[tilespmem:s0+$0x0] =	vst v37  }
0xb2: {  	v37 =	vld [tilespmem:s18+$0x0]  }
0xb3: {  	v54 =	vld [tilespmem:s18+$0x2A0];
	_ =	sdelay $0x1  }
0xb4: {  	v55 =	vld [tilespmem:s18+$0x540];
	_ =	sdelay $0x1  }
0xb5: {  	v56 =	vld [tilespmem:s18+$0x7E0]  }
0xb6: {  	v37 =	vmul.f32 v37, v27;
	v38 =	vmul.f32 v54, v28  }
0xb7: {  	v57 =	vld [tilespmem:s18+$0xA80]  }
0xb8: {  	v58 =	vmul.f32 v55, v26;
	v37 =	vadd.f32 v38, v37  }
0xb9: {  	v59 =	vld [tilespmem:s18+$0xD20]  }
0xba: {  	v60 =	vmul.f32 v56, v25;
	v37 =	vadd.f32 v58, v37  }
0xbb: {  	v61 =	vld [tilespmem:s18+$0xFC0]  }
0xbc: {  	v62 =	vmul.f32 v57, v35;
	v37 =	vadd.f32 v60, v37  }
0xbd: {  	v63 =	vld [tilespmem:s18+$0x1260]  }
0xbe: {  	v43 =	vmul.f32 v59, v36;
	v37 =	vadd.f32 v62, v37  }
0xbf: {  	v44 =	vld [tilespmem:s18+$0x1500]  }
0xc0: {  	v45 =	vmul.f32 v61, v33;
	v37 =	vadd.f32 v43, v37  }
0xc1: {  	v46 =	vld [tilespmem:s18+$0x17A0]  }
0xc2: {  	v47 =	vmul.f32 v63, v34;
	v37 =	vadd.f32 v45, v37  }
0xc3: {  	v48 =	vld [tilespmem:s18+$0x1A40]  }
0xc4: {  	v49 =	vmul.f32 v44, v31;
	v37 =	vadd.f32 v47, v37  }
0xc5: {  	v50 =	vld [tilespmem:s18+$0x1CE0]  }
0xc6: {  	v51 =	vmul.f32 v46, v32;
	v37 =	vadd.f32 v49, v37;
	_ =	sdelay $0x1  }
0xc7: {  	v52 =	vmul.f32 v48, v29;
	v37 =	vadd.f32 v51, v37;
	_ =	sdelay $0x1  }
0xc8: {  	v53 =	vmul.f32 v50, v30;
	v37 =	vadd.f32 v52, v37;
	_ =	sdelay $0x1  }
0xc9: {  	v37 =	vadd.f32 v53, v37;
	_ =	sdelay $0x1  }
0xca: {  	[tilespmem:$0x3880] =	vst v37  }
0xcb: {  	v37 =	vld [tilespmem:s18+$0x10]  }
0xcc: {  	v54 =	vld [tilespmem:s18+$0x2B0];
	_ =	sdelay $0x1  }
0xcd: {  	v55 =	vld [tilespmem:s18+$0x550];
	_ =	sdelay $0x1  }
0xce: {  	v56 =	vld [tilespmem:s18+$0x7F0]  }
0xcf: {  	v37 =	vmul.f32 v37, v27;
	v38 =	vmul.f32 v54, v28  }
0xd0: {  	v57 =	vld [tilespmem:s18+$0xA90]  }
0xd1: {  	v58 =	vmul.f32 v55, v26;
	v37 =	vadd.f32 v38, v37  }
0xd2: {  	v59 =	vld [tilespmem:s18+$0xD30]  }
0xd3: {  	v60 =	vmul.f32 v56, v25;
	v37 =	vadd.f32 v58, v37  }
0xd4: {  	v61 =	vld [tilespmem:s18+$0xFD0]  }
0xd5: {  	v62 =	vmul.f32 v57, v35;
	v37 =	vadd.f32 v60, v37  }
0xd6: {  	v63 =	vld [tilespmem:s18+$0x1270]  }
0xd7: {  	v43 =	vmul.f32 v59, v36;
	v37 =	vadd.f32 v62, v37  }
0xd8: {  	v44 =	vld [tilespmem:s18+$0x1510]  }
0xd9: {  	v45 =	vmul.f32 v61, v33;
	v37 =	vadd.f32 v43, v37  }
0xda: {  	v46 =	vld [tilespmem:s18+$0x17B0]  }
0xdb: {  	v47 =	vmul.f32 v63, v34;
	v37 =	vadd.f32 v45, v37  }
0xdc: {  	v48 =	vld [tilespmem:s18+$0x1A50]  }
0xdd: {  	v49 =	vmul.f32 v44, v31;
	v37 =	vadd.f32 v47, v37  }
0xde: {  	v50 =	vld [tilespmem:s18+$0x1CF0]  }
0xdf: {  	v51 =	vmul.f32 v46, v32;
	v37 =	vadd.f32 v49, v37;
	_ =	sdelay $0x1  }
0xe0: {  	v52 =	vmul.f32 v48, v29;
	v37 =	vadd.f32 v51, v37;
	_ =	sdelay $0x1  }
0xe1: {  	v53 =	vmul.f32 v50, v30;
	v37 =	vadd.f32 v52, v37;
	_ =	sdelay $0x1  }
0xe2: {  	v37 =	vadd.f32 v53, v37;
	_ =	sdelay $0x1  }
0xe3: {  	[tilespmem:$0x3890] =	vst v37  }
0xe4: {  	v37 =	vld [tilespmem:s18+$0x20]  }
0xe5: {  	v54 =	vld [tilespmem:s18+$0x2C0];
	_ =	sdelay $0x1  }
0xe6: {  	v55 =	vld [tilespmem:s18+$0x560];
	_ =	sdelay $0x1  }
0xe7: {  	v56 =	vld [tilespmem:s18+$0x800]  }
0xe8: {  	v37 =	vmul.f32 v37, v27;
	v38 =	vmul.f32 v54, v28  }
0xe9: {  	v57 =	vld [tilespmem:s18+$0xAA0]  }
0xea: {  	v58 =	vmul.f32 v55, v26;
	v37 =	vadd.f32 v38, v37  }
0xeb: {  	v59 =	vld [tilespmem:s18+$0xD40]  }
0xec: {  	v60 =	vmul.f32 v56, v25;
	v37 =	vadd.f32 v58, v37  }
0xed: {  	v61 =	vld [tilespmem:s18+$0xFE0]  }
0xee: {  	v62 =	vmul.f32 v57, v35;
	v37 =	vadd.f32 v60, v37  }
0xef: {  	v63 =	vld [tilespmem:s18+$0x1280]  }
0xf0: {  	v43 =	vmul.f32 v59, v36;
	v37 =	vadd.f32 v62, v37  }
0xf1: {  	v44 =	vld [tilespmem:s18+$0x1520]  }
0xf2: {  	v45 =	vmul.f32 v61, v33;
	v37 =	vadd.f32 v43, v37  }
0xf3: {  	v46 =	vld [tilespmem:s18+$0x17C0]  }
0xf4: {  	v47 =	vmul.f32 v63, v34;
	v37 =	vadd.f32 v45, v37  }
0xf5: {  	v48 =	vld [tilespmem:s18+$0x1A60]  }
0xf6: {  	v49 =	vmul.f32 v44, v31;
	v37 =	vadd.f32 v47, v37  }
0xf7: {  	v50 =	vld [tilespmem:s18+$0x1D00]  }
0xf8: {  	v51 =	vmul.f32 v46, v32;
	v37 =	vadd.f32 v49, v37;
	_ =	sdelay $0x1  }
0xf9: {  	v52 =	vmul.f32 v48, v29;
	v37 =	vadd.f32 v51, v37;
	_ =	sdelay $0x1  }
0xfa: {  	v53 =	vmul.f32 v50, v30;
	v37 =	vadd.f32 v52, v37;
	_ =	sdelay $0x1  }
0xfb: {  	v37 =	vadd.f32 v53, v37;
	_ =	sdelay $0x1  }
0xfc: {  	[tilespmem:$0x38A0] =	vst v37  }
0xfd: {  	v37 =	vld [tilespmem:s18+$0x30]  }
0xfe: {  	v54 =	vld [tilespmem:s18+$0x2D0];
	_ =	sdelay $0x1  }
0xff: {  	v55 =	vld [tilespmem:s18+$0x570];
	_ =	sdelay $0x1  }
0x100: {  	v56 =	vld [tilespmem:s18+$0x810]  }
0x101: {  	v37 =	vmul.f32 v37, v27;
	v38 =	vmul.f32 v54, v28  }
0x102: {  	v57 =	vld [tilespmem:s18+$0xAB0]  }
0x103: {  	v58 =	vmul.f32 v55, v26;
	v37 =	vadd.f32 v38, v37  }
0x104: {  	v59 =	vld [tilespmem:s18+$0xD50]  }
0x105: {  	v60 =	vmul.f32 v56, v25;
	v37 =	vadd.f32 v58, v37  }
0x106: {  	v61 =	vld [tilespmem:s18+$0xFF0]  }
0x107: {  	v62 =	vmul.f32 v57, v35;
	v37 =	vadd.f32 v60, v37  }
0x108: {  	v63 =	vld [tilespmem:s18+$0x1290]  }
0x109: {  	v43 =	vmul.f32 v59, v36;
	v37 =	vadd.f32 v62, v37  }
0x10a: {  	v44 =	vld [tilespmem:s18+$0x1530]  }
0x10b: {  	v45 =	vmul.f32 v61, v33;
	v37 =	vadd.f32 v43, v37  }
0x10c: {  	v46 =	vld [tilespmem:s18+$0x17D0]  }
0x10d: {  	v47 =	vmul.f32 v63, v34;
	v37 =	vadd.f32 v45, v37  }
0x10e: {  	v48 =	vld [tilespmem:s18+$0x1A70]  }
0x10f: {  	v49 =	vmul.f32 v44, v31;
	v37 =	vadd.f32 v47, v37  }
0x110: {  	v50 =	vld [tilespmem:s18+$0x1D10]  }
0x111: {  	v51 =	vmul.f32 v46, v32;
	v37 =	vadd.f32 v49, v37;
	_ =	sdelay $0x1  }
0x112: {  	v52 =	vmul.f32 v48, v29;
	v37 =	vadd.f32 v51, v37;
	_ =	sdelay $0x1  }
0x113: {  	v53 =	vmul.f32 v50, v30;
	v37 =	vadd.f32 v52, v37;
	_ =	sdelay $0x1  }
0x114: {  	v37 =	vadd.f32 v53, v37;
	_ =	sdelay $0x1  }
0x115: {  	[tilespmem:$0x38B0] =	vst v37  }
0x116: {  	v37 =	vld [tilespmem:s18+$0x40]  }
0x117: {  	v54 =	vld [tilespmem:s18+$0x2E0];
	_ =	sdelay $0x1  }
0x118: {  	v55 =	vld [tilespmem:s18+$0x580];
	_ =	sdelay $0x1  }
0x119: {  	v56 =	vld [tilespmem:s18+$0x820]  }
0x11a: {  	v37 =	vmul.f32 v37, v27;
	v38 =	vmul.f32 v54, v28  }
0x11b: {  	v57 =	vld [tilespmem:s18+$0xAC0]  }
0x11c: {  	v58 =	vmul.f32 v55, v26;
	v37 =	vadd.f32 v38, v37  }
0x11d: {  	v59 =	vld [tilespmem:s18+$0xD60]  }
0x11e: {  	v60 =	vmul.f32 v56, v25;
	v37 =	vadd.f32 v58, v37  }
0x11f: {  	v61 =	vld [tilespmem:s18+$0x1000]  }
0x120: {  	v62 =	vmul.f32 v57, v35;
	v37 =	vadd.f32 v60, v37  }
0x121: {  	v63 =	vld [tilespmem:s18+$0x12A0]  }
0x122: {  	v43 =	vmul.f32 v59, v36;
	v37 =	vadd.f32 v62, v37  }
0x123: {  	v44 =	vld [tilespmem:s18+$0x1540]  }
0x124: {  	v45 =	vmul.f32 v61, v33;
	v37 =	vadd.f32 v43, v37  }
0x125: {  	v46 =	vld [tilespmem:s18+$0x17E0]  }
0x126: {  	v47 =	vmul.f32 v63, v34;
	v37 =	vadd.f32 v45, v37  }
0x127: {  	v48 =	vld [tilespmem:s18+$0x1A80]  }
0x128: {  	v49 =	vmul.f32 v44, v31;
	v37 =	vadd.f32 v47, v37  }
0x129: {  	v50 =	vld [tilespmem:s18+$0x1D20]  }
0x12a: {  	v51 =	vmul.f32 v46, v32;
	v37 =	vadd.f32 v49, v37;
	_ =	sdelay $0x1  }
0x12b: {  	v52 =	vmul.f32 v48, v29;
	v37 =	vadd.f32 v51, v37;
	_ =	sdelay $0x1  }
0x12c: {  	v53 =	vmul.f32 v50, v30;
	v37 =	vadd.f32 v52, v37;
	_ =	sdelay $0x1  }
0x12d: {  	v37 =	vadd.f32 v53, v37;
	_ =	sdelay $0x1  }
0x12e: {  	[tilespmem:$0x38C0] =	vst v37  }
0x12f: {  	v37 =	vld [tilespmem:s18+$0x50]  }
0x130: {  	v54 =	vld [tilespmem:s18+$0x2F0];
	_ =	sdelay $0x1  }
0x131: {  	v55 =	vld [tilespmem:s18+$0x590];
	_ =	sdelay $0x1  }
0x132: {  	v56 =	vld [tilespmem:s18+$0x830]  }
0x133: {  	v37 =	vmul.f32 v37, v27;
	v38 =	vmul.f32 v54, v28  }
0x134: {  	v57 =	vld [tilespmem:s18+$0xAD0]  }
0x135: {  	v58 =	vmul.f32 v55, v26;
	v37 =	vadd.f32 v38, v37  }
0x136: {  	v59 =	vld [tilespmem:s18+$0xD70]  }
0x137: {  	v60 =	vmul.f32 v56, v25;
	v37 =	vadd.f32 v58, v37  }
0x138: {  	v61 =	vld [tilespmem:s18+$0x1010]  }
0x139: {  	v62 =	vmul.f32 v57, v35;
	v37 =	vadd.f32 v60, v37  }
0x13a: {  	v63 =	vld [tilespmem:s18+$0x12B0]  }
0x13b: {  	v44 =	vmul.f32 v59, v36;
	v37 =	vadd.f32 v62, v37  }
0x13c: {  	v45 =	vld [tilespmem:s18+$0x1550]  }
0x13d: {  	v46 =	vmul.f32 v61, v33;
	v37 =	vadd.f32 v44, v37  }
0x13e: {  	v47 =	vld [tilespmem:s18+$0x17F0]  }
0x13f: {  	v48 =	vmul.f32 v63, v34;
	v37 =	vadd.f32 v46, v37  }
0x140: {  	v49 =	vld [tilespmem:s18+$0x1A90]  }
0x141: {  	v50 =	vmul.f32 v45, v31;
	v37 =	vadd.f32 v48, v37  }
0x142: {  	v51 =	vld [tilespmem:s18+$0x1D30]  }
0x143: {  	v52 =	vmul.f32 v47, v32;
	v37 =	vadd.f32 v50, v37;
	_ =	sdelay $0x1  }
0x144: {  	v53 =	vmul.f32 v49, v29;
	v37 =	vadd.f32 v52, v37;
	_ =	sdelay $0x1  }
0x145: {  	v54 =	vmul.f32 v51, v30;
	v37 =	vadd.f32 v53, v37;
	_ =	sdelay $0x1  }
0x146: {  	v37 =	vadd.f32 v54, v37;
	_ =	sdelay $0x1  }
0x147: {  	[tilespmem:$0x38D0] =	vst v37  }
0x148: {  	v37 =	vld [tilespmem:s18+$0x60]  }
0x149: {  	v55 =	vld [tilespmem:s18+$0x300];
	_ =	sdelay $0x1  }
0x14a: {  	v56 =	vld [tilespmem:s18+$0x5A0];
	_ =	sdelay $0x1  }
0x14b: {  	v57 =	vld [tilespmem:s18+$0x840]  }
0x14c: {  	v37 =	vmul.f32 v37, v27;
	v38 =	vmul.f32 v55, v28  }
0x14d: {  	v58 =	vld [tilespmem:s18+$0xAE0]  }
0x14e: {  	v59 =	vmul.f32 v56, v26;
	v37 =	vadd.f32 v38, v37  }
0x14f: {  	v60 =	vld [tilespmem:s18+$0xD80]  }
0x150: {  	v61 =	vmul.f32 v57, v25;
	v37 =	vadd.f32 v59, v37  }
0x151: {  	v62 =	vld [tilespmem:s18+$0x1020]  }
0x152: {  	v63 =	vmul.f32 v58, v35;
	v37 =	vadd.f32 v61, v37  }
0x153: {  	v44 =	vld [tilespmem:s18+$0x12C0]  }
0x154: {  	v45 =	vmul.f32 v60, v36;
	v37 =	vadd.f32 v63, v37  }
0x155: {  	v46 =	vld [tilespmem:s18+$0x1560]  }
0x156: {  	v47 =	vmul.f32 v62, v33;
	v37 =	vadd.f32 v45, v37  }
0x157: {  	v48 =	vld [tilespmem:s18+$0x1800]  }
0x158: {  	v49 =	vmul.f32 v44, v34;
	v37 =	vadd.f32 v47, v37  }
0x159: {  	v50 =	vld [tilespmem:s18+$0x1AA0]  }
0x15a: {  	v51 =	vmul.f32 v46, v31;
	v37 =	vadd.f32 v49, v37  }
0x15b: {  	v52 =	vld [tilespmem:s18+$0x1D40]  }
0x15c: {  	v53 =	vmul.f32 v48, v32;
	v37 =	vadd.f32 v51, v37;
	_ =	sdelay $0x1  }
0x15d: {  	v54 =	vmul.f32 v50, v29;
	v37 =	vadd.f32 v53, v37;
	_ =	sdelay $0x1  }
0x15e: {  	v55 =	vmul.f32 v52, v30;
	v37 =	vadd.f32 v54, v37;
	_ =	sdelay $0x1  }
0x15f: {  	v37 =	vadd.f32 v55, v37;
	_ =	sdelay $0x1  }
0x160: {  	[tilespmem:$0x38E0] =	vst v37  }
0x161: {  	v37 =	vld [tilespmem:s18+$0x70]  }
0x162: {  	v56 =	vld [tilespmem:s18+$0x310];
	_ =	sdelay $0x1  }
0x163: {  	v57 =	vld [tilespmem:s18+$0x5B0];
	_ =	sdelay $0x1  }
0x164: {  	v58 =	vld [tilespmem:s18+$0x850]  }
0x165: {  	v37 =	vmul.f32 v37, v27;
	v38 =	vmul.f32 v56, v28  }
0x166: {  	v59 =	vld [tilespmem:s18+$0xAF0]  }
0x167: {  	v60 =	vmul.f32 v57, v26;
	v37 =	vadd.f32 v38, v37  }
0x168: {  	v61 =	vld [tilespmem:s18+$0xD90]  }
0x169: {  	v62 =	vmul.f32 v58, v25;
	v37 =	vadd.f32 v60, v37  }
0x16a: {  	v63 =	vld [tilespmem:s18+$0x1030]  }
0x16b: {  	v44 =	vmul.f32 v59, v35;
	v37 =	vadd.f32 v62, v37  }
0x16c: {  	v45 =	vld [tilespmem:s18+$0x12D0]  }
0x16d: {  	v46 =	vmul.f32 v61, v36;
	v37 =	vadd.f32 v44, v37  }
0x16e: {  	v47 =	vld [tilespmem:s18+$0x1570]  }
0x16f: {  	v48 =	vmul.f32 v63, v33;
	v37 =	vadd.f32 v46, v37  }
0x170: {  	v49 =	vld [tilespmem:s18+$0x1810]  }
0x171: {  	v50 =	vmul.f32 v45, v34;
	v37 =	vadd.f32 v48, v37  }
0x172: {  	v51 =	vld [tilespmem:s18+$0x1AB0]  }
0x173: {  	v52 =	vmul.f32 v47, v31;
	v37 =	vadd.f32 v50, v37  }
0x174: {  	v53 =	vld [tilespmem:s18+$0x1D50]  }
0x175: {  	v54 =	vmul.f32 v49, v32;
	v37 =	vadd.f32 v52, v37;
	_ =	sdelay $0x1  }
0x176: {  	v55 =	vmul.f32 v51, v29;
	v37 =	vadd.f32 v54, v37;
	_ =	sdelay $0x1  }
0x177: {  	v56 =	vmul.f32 v53, v30;
	v37 =	vadd.f32 v55, v37;
	_ =	sdelay $0x1  }
0x178: {  	v37 =	vadd.f32 v56, v37;
	_ =	sdelay $0x1  }
0x179: {  	[tilespmem:$0x38F0] =	vst v37  }
0x17a: {  	v37 =	vld [tilespmem:s18+$0x80]  }
0x17b: {  	v57 =	vld [tilespmem:s18+$0x320];
	_ =	sdelay $0x1  }
0x17c: {  	v58 =	vld [tilespmem:s18+$0x5C0];
	_ =	sdelay $0x1  }
0x17d: {  	v59 =	vld [tilespmem:s18+$0x860]  }
0x17e: {  	v37 =	vmul.f32 v37, v27;
	v38 =	vmul.f32 v57, v28  }
0x17f: {  	v60 =	vld [tilespmem:s18+$0xB00]  }
0x180: {  	v61 =	vmul.f32 v58, v26;
	v37 =	vadd.f32 v38, v37  }
0x181: {  	v62 =	vld [tilespmem:s18+$0xDA0]  }
0x182: {  	v63 =	vmul.f32 v59, v25;
	v37 =	vadd.f32 v61, v37  }
0x183: {  	v44 =	vld [tilespmem:s18+$0x1040]  }
0x184: {  	v45 =	vmul.f32 v60, v35;
	v37 =	vadd.f32 v63, v37  }
0x185: {  	v46 =	vld [tilespmem:s18+$0x12E0]  }
0x186: {  	v47 =	vmul.f32 v62, v36;
	v37 =	vadd.f32 v45, v37  }
0x187: {  	v48 =	vld [tilespmem:s18+$0x1580]  }
0x188: {  	v49 =	vmul.f32 v44, v33;
	v37 =	vadd.f32 v47, v37  }
0x189: {  	v50 =	vld [tilespmem:s18+$0x1820]  }
0x18a: {  	v51 =	vmul.f32 v46, v34;
	v37 =	vadd.f32 v49, v37  }
0x18b: {  	v52 =	vld [tilespmem:s18+$0x1AC0]  }
0x18c: {  	v53 =	vmul.f32 v48, v31;
	v37 =	vadd.f32 v51, v37  }
0x18d: {  	v54 =	vld [tilespmem:s18+$0x1D60]  }
0x18e: {  	v55 =	vmul.f32 v50, v32;
	v37 =	vadd.f32 v53, v37;
	_ =	sdelay $0x1  }
0x18f: {  	v56 =	vmul.f32 v52, v29;
	v37 =	vadd.f32 v55, v37;
	_ =	sdelay $0x1  }
0x190: {  	v57 =	vmul.f32 v54, v30;
	v37 =	vadd.f32 v56, v37;
	_ =	sdelay $0x1  }
0x191: {  	v37 =	vadd.f32 v57, v37;
	_ =	sdelay $0x1  }
0x192: {  	[tilespmem:$0x3900] =	vst v37  }
0x193: {  	v37 =	vld [tilespmem:s18+$0x90]  }
0x194: {  	v58 =	vld [tilespmem:s18+$0x330];
	_ =	sdelay $0x1  }
0x195: {  	v59 =	vld [tilespmem:s18+$0x5D0];
	_ =	sdelay $0x1  }
0x196: {  	v60 =	vld [tilespmem:s18+$0x870]  }
0x197: {  	v37 =	vmul.f32 v37, v27;
	v38 =	vmul.f32 v58, v28  }
0x198: {  	v61 =	vld [tilespmem:s18+$0xB10]  }
0x199: {  	v62 =	vmul.f32 v59, v26;
	v37 =	vadd.f32 v38, v37  }
0x19a: {  	v63 =	vld [tilespmem:s18+$0xDB0]  }
0x19b: {  	v44 =	vmul.f32 v60, v25;
	v37 =	vadd.f32 v62, v37  }
0x19c: {  	v45 =	vld [tilespmem:s18+$0x1050]  }
0x19d: {  	v46 =	vmul.f32 v61, v35;
	v37 =	vadd.f32 v44, v37  }
0x19e: {  	v47 =	vld [tilespmem:s18+$0x12F0]  }
0x19f: {  	v48 =	vmul.f32 v63, v36;
	v37 =	vadd.f32 v46, v37  }
0x1a0: {  	v49 =	vld [tilespmem:s18+$0x1590]  }
0x1a1: {  	v50 =	vmul.f32 v45, v33;
	v37 =	vadd.f32 v48, v37  }
0x1a2: {  	v51 =	vld [tilespmem:s18+$0x1830]  }
0x1a3: {  	v52 =	vmul.f32 v47, v34;
	v37 =	vadd.f32 v50, v37  }
0x1a4: {  	v53 =	vld [tilespmem:s18+$0x1AD0]  }
0x1a5: {  	v54 =	vmul.f32 v49, v31;
	v37 =	vadd.f32 v52, v37  }
0x1a6: {  	v55 =	vld [tilespmem:s18+$0x1D70]  }
0x1a7: {  	v56 =	vmul.f32 v51, v32;
	v37 =	vadd.f32 v54, v37;
	_ =	sdelay $0x1  }
0x1a8: {  	v57 =	vmul.f32 v53, v29;
	v37 =	vadd.f32 v56, v37;
	_ =	sdelay $0x1  }
0x1a9: {  	v58 =	vmul.f32 v55, v30;
	v37 =	vadd.f32 v57, v37;
	_ =	sdelay $0x1  }
0x1aa: {  	v37 =	vadd.f32 v58, v37;
	_ =	sdelay $0x1  }
0x1ab: {  	[tilespmem:$0x3910] =	vst v37  }
0x1ac: {  	v37 =	vld [tilespmem:s18+$0xA0]  }
0x1ad: {  	v59 =	vld [tilespmem:s18+$0x340];
	_ =	sdelay $0x1  }
0x1ae: {  	v60 =	vld [tilespmem:s18+$0x5E0];
	_ =	sdelay $0x1  }
0x1af: {  	v61 =	vld [tilespmem:s18+$0x880]  }
0x1b0: {  	v27 =	vmul.f32 v37, v27;
	v62 =	vmul.f32 v59, v28  }
0x1b1: {  	v63 =	vld [tilespmem:s18+$0xB20]  }
0x1b2: {  	v26 =	vmul.f32 v60, v26;
	v27 =	vadd.f32 v62, v27  }
0x1b3: {  	v41 =	vld [tilespmem:s18+$0xDC0]  }
0x1b4: {  	v25 =	vmul.f32 v61, v25;
	v26 =	vadd.f32 v26, v27  }
0x1b5: {  	v27 =	vld [tilespmem:s18+$0x1060]  }
0x1b6: {  	v25 =	vadd.f32 v25, v26;
	v26 =	vmul.f32 v63, v35  }
0x1b7: {  	v42 =	vld [tilespmem:s18+$0x1300]  }
0x1b8: {  	v25 =	vadd.f32 v26, v25;
	v26 =	vmul.f32 v41, v36  }
0x1b9: {  	v43 =	vld [tilespmem:s18+$0x15A0]  }
0x1ba: {  	v25 =	vadd.f32 v26, v25;
	v26 =	vmul.f32 v27, v33  }
0x1bb: {  	v27 =	vld [tilespmem:s18+$0x1840]  }
0x1bc: {  	v25 =	vadd.f32 v26, v25;
	v26 =	vmul.f32 v42, v34  }
0x1bd: {  	v44 =	vld [tilespmem:s18+$0x1AE0]  }
0x1be: {  	v25 =	vadd.f32 v26, v25;
	v26 =	vmul.f32 v43, v31  }
0x1bf: {  	v45 =	vld [tilespmem:s18+$0x1D80]  }
0x1c0: {  	v25 =	vadd.f32 v26, v25;
	v26 =	vmul.f32 v27, v32;
	_ =	sdelay $0x1  }
0x1c1: {  	v25 =	vadd.f32 v26, v25;
	v26 =	vmul.f32 v44, v29;
	_ =	sdelay $0x1  }
0x1c2: {  	v25 =	vadd.f32 v26, v25;
	v26 =	vmul.f32 v45, v30;
	_ =	sdelay $0x1  }
0x1c3: {  	v25 =	vadd.f32 v26, v25  }
0x1c4: {  	[tilespmem:$0x13300] =	vst v1  }
0x1c5: {  	s1 =	simm.s32 $0x1F90;
	[tilespmem:$0x3920] =	vst v25  }
0x1c6: {  	v25 =	vld [tilespmem:s1+$0x0]  }
0x1c7: {  	s25 =	simm.s32 $0x0;
	v26 =	vld [tilespmem:s1+$0xFFFFFFF0]  }
0x1c8: {  	v27 =	vmov s25;
	_ =	sdelay $0x4  }
0x1c9: {  	v27 =	vld.idx.msk [tilespmem:v27+s26+$0x0], $0xffff  }
0x1ca: {  	v46 =	vld.idx.msk [tilespmem:v25+s28+$0x0], $0xffff  }
0x1cb: {  	v47 =	vld.idx.msk [tilespmem:v26+s28+$0x0], $0xffff;
	_ =	sdelay $0x3  }
0x1cc: {  	v28 =	vadd.f32 v46, v27  }
0x1cd: {  	v27 =	vadd.f32 v47, v27  }
0x1ce: {  	v48 =	vmul.f32 $5.000000000e-01, v28  }
0x1cf: {  	v49 =	vmul.f32 $5.000000000e-01, v27  }
0x1d0: {  	v28 =	vmax.f32 v28, v48  }
0x1d1: {  	v27 =	vmax.f32 v27, v49;
	v29 =	vnsel vm0, $0xFF61B1E6, v28  }
0x1d2: {  	v29 =	vmax.f32 v27, v29  }
0x1d3: {  	(xrf0) =	vmax.scan.msk.f32 $0xffff, v29;
	_ =	sdelay $0x5  }
0x1d4: {  	v29, _, _ =	vpop (xrf0)  }
0x1d5: {  	v29 =	vbroadcast v29, $0xF;
	_ =	sdelay $0x1  }
0x1d6: {  	v28 =	vsub.f32 v28, v29  }
0x1d7: {  	v27 =	vsub.f32 v27, v29  }
0x1d8: {  	v28 =	vmul.f32 $1.442695020e+00, v28  }
0x1d9: {  	v27 =	vmul.f32 $1.442695020e+00, v27  }
0x1da: {  	(erf) = vpow2.f32 v28  }
0x1db: {  	(erf) = vpow2.f32 v27;
	_ =	sdelay $0x7  }
0x1dc: {  	v27 =	vpop (erf)  }
0x1dd: {  	v27 =	vnsel vm0, $0x0, v27;
	v50 =	vpop (erf)  }
0x1de: {  	v51 =	vadd.f32 v27, v50;
	_ =	sdelay $0x1  }
0x1df: {  	(xrf2) =	vadd.scan.msk.f32 $0xffff, v51;
	_ =	sdelay $0x9  }
0x1e0: {  	v29, _, _ =	vpop (xrf2)  }
0x1e1: {  	v29 =	vbroadcast v29, $0xF;
	_ =	sdelay $0x1  }
0x1e2: {  	(erf) = vrcp.f32 v29;
	_ =	sdelay $0x6  }
0x1e3: {  	v52 =	vld.idx.msk [tilespmem:v26+s2+$0x0], $0xffff  }
0x1e4: {  	v53 =	vld.idx.msk [tilespmem:v25+s2+$0x0], $0xffff  }
0x1e5: {  	v54 =	vadd.s32 s25, v0;
	v55 =	vpop (erf)  }
0x1e6: {  	v56 =	vadd.s32 s25, v2;
	v28 =	vmul.f32 v55, v50  }
0x1e7: {  	v57 =	vadd.s32 $0x2A0, v26;
	v27 =	vmul.f32 v55, v27  }
0x1e8: {  	v58 =	vadd.s32 $0x2A0, v25;
	v29 =	vmul.f32 v28, v52  }
0x1e9: {  	v30 =	vmul.f32 v27, v53  }
0x1ea: {  	[tilespmem:v54+s29+$0x0] =	vst.idx.msk $0xffff, v29  }
0x1eb: {  	[tilespmem:v56+s29+$0x0] =	vst.idx.msk $0x3fff, v30  }
0x1ec: {  	v31 =	vld.idx.msk [tilespmem:v57+s2+$0x0], $0xffff  }
0x1ed: {  	v59 =	vld.idx.msk [tilespmem:v58+s2+$0x0], $0xffff  }
0x1ee: {  	v60 =	vadd.s32 s25, v3  }
0x1ef: {  	v61 =	vadd.s32 s25, v4  }
0x1f0: {  	v62 =	vadd.s32 $0x540, v26  }
0x1f1: {  	v63 =	vadd.s32 $0x540, v25;
	v31 =	vmul.f32 v28, v31  }
0x1f2: {  	v32 =	vmul.f32 v27, v59  }
0x1f3: {  	[tilespmem:v60+s29+$0x0] =	vst.idx.msk $0xffff, v31  }
0x1f4: {  	[tilespmem:v61+s29+$0x0] =	vst.idx.msk $0x3fff, v32  }
0x1f5: {  	v33 =	vld.idx.msk [tilespmem:v62+s2+$0x0], $0xffff  }
0x1f6: {  	v34 =	vld.idx.msk [tilespmem:v63+s2+$0x0], $0xffff  }
0x1f7: {  	v40 =	vadd.s32 s25, v5  }
0x1f8: {  	v41 =	vadd.s32 s25, v6  }
0x1f9: {  	v42 =	vadd.s32 $0x7E0, v26  }
0x1fa: {  	v43 =	vadd.s32 $0x7E0, v25;
	v33 =	vmul.f32 v28, v33  }
0x1fb: {  	v34 =	vmul.f32 v27, v34  }
0x1fc: {  	[tilespmem:v40+s29+$0x0] =	vst.idx.msk $0xffff, v33  }
0x1fd: {  	[tilespmem:v41+s29+$0x0] =	vst.idx.msk $0x3fff, v34  }
0x1fe: {  	v35 =	vld.idx.msk [tilespmem:v42+s2+$0x0], $0xffff  }
0x1ff: {  	v36 =	vld.idx.msk [tilespmem:v43+s2+$0x0], $0xffff  }
0x200: {  	v44 =	vadd.s32 s25, v7  }
0x201: {  	v45 =	vadd.s32 s25, v8  }
0x202: {  	v46 =	vadd.s32 $0xA80, v26  }
0x203: {  	v47 =	vadd.s32 $0xA80, v25;
	v35 =	vmul.f32 v28, v35  }
0x204: {  	v36 =	vmul.f32 v27, v36  }
0x205: {  	[tilespmem:v44+s29+$0x0] =	vst.idx.msk $0xffff, v35  }
0x206: {  	[tilespmem:v45+s29+$0x0] =	vst.idx.msk $0x3fff, v36  }
0x207: {  	v37 =	vld.idx.msk [tilespmem:v46+s2+$0x0], $0xffff  }
0x208: {  	v38 =	vld.idx.msk [tilespmem:v47+s2+$0x0], $0xffff  }
0x209: {  	v48 =	vadd.s32 s25, v9  }
0x20a: {  	v49 =	vadd.s32 s25, v10  }
0x20b: {  	v50 =	vadd.s32 $0xD20, v26  }
0x20c: {  	v51 =	vadd.s32 $0xD20, v25;
	v37 =	vmul.f32 v28, v37  }
0x20d: {  	v38 =	vmul.f32 v38, v27  }
0x20e: {  	[tilespmem:v48+s29+$0x0] =	vst.idx.msk $0xffff, v37  }
0x20f: {  	[tilespmem:v49+s29+$0x0] =	vst.idx.msk $0x3fff, v38  }
0x210: {  	v39 =	vld.idx.msk [tilespmem:v50+s2+$0x0], $0xffff  }
0x211: {  	v40 =	vld.idx.msk [tilespmem:v51+s2+$0x0], $0xffff  }
0x212: {  	v52 =	vadd.s32 s25, v11  }
0x213: {  	v53 =	vadd.s32 s25, v12  }
0x214: {  	v54 =	vadd.s32 $0xFC0, v26  }
0x215: {  	v55 =	vadd.s32 $0xFC0, v25;
	v39 =	vmul.f32 v39, v28  }
0x216: {  	v40 =	vmul.f32 v40, v27  }
0x217: {  	[tilespmem:v52+s29+$0x0] =	vst.idx.msk $0xffff, v39  }
0x218: {  	[tilespmem:v53+s29+$0x0] =	vst.idx.msk $0x3fff, v40  }
0x219: {  	v41 =	vld.idx.msk [tilespmem:v54+s2+$0x0], $0xffff  }
0x21a: {  	v42 =	vld.idx.msk [tilespmem:v55+s2+$0x0], $0xffff  }
0x21b: {  	v56 =	vadd.s32 s25, v13  }
0x21c: {  	v57 =	vadd.s32 s25, v14  }
0x21d: {  	v58 =	vadd.s32 $0x1260, v26  }
0x21e: {  	v59 =	vadd.s32 $0x1260, v25;
	v41 =	vmul.f32 v41, v28  }
0x21f: {  	v42 =	vmul.f32 v42, v27  }
0x220: {  	[tilespmem:v56+s29+$0x0] =	vst.idx.msk $0xffff, v41  }
0x221: {  	[tilespmem:v57+s29+$0x0] =	vst.idx.msk $0x3fff, v42  }
0x222: {  	v29 =	vadd.f32 $0.0e+00, v29;
	v43 =	vld.idx.msk [tilespmem:v58+s2+$0x0], $0xffff  }
0x223: {  	v44 =	vld.idx.msk [tilespmem:v59+s2+$0x0], $0xffff  }
0x224: {  	v29 =	vadd.f32 v29, v30;
	v60 =	vadd.s32 s25, v15  }
0x225: {  	v61 =	vadd.s32 s25, v16  }
0x226: {  	v29 =	vadd.f32 v29, v31;
	v62 =	vadd.s32 $0x1500, v26  }
0x227: {  	v63 =	vadd.s32 $0x1500, v25;
	v43 =	vmul.f32 v43, v28  }
0x228: {  	v29 =	vadd.f32 v29, v32;
	v47 =	vmul.f32 v44, v27  }
0x229: {  	[tilespmem:v60+s29+$0x0] =	vst.idx.msk $0xffff, v43  }
0x22a: {  	v29 =	vadd.f32 v29, v33;
	[tilespmem:v61+s29+$0x0] =	vst.idx.msk $0x3fff, v47  }
0x22b: {  	v30 =	vld.idx.msk [tilespmem:v62+s2+$0x0], $0xffff  }
0x22c: {  	v29 =	vadd.f32 v29, v34;
	v48 =	vld.idx.msk [tilespmem:v63+s2+$0x0], $0xffff  }
0x22d: {  	v49 =	vadd.s32 s25, v17  }
0x22e: {  	v29 =	vadd.f32 v29, v35;
	v50 =	vadd.s32 s25, v18  }
0x22f: {  	v51 =	vadd.s32 $0x17A0, v26  }
0x230: {  	v29 =	vadd.f32 v29, v36;
	v52 =	vadd.s32 $0x17A0, v25;
	v30 =	vmul.f32 v30, v28  }
0x231: {  	v31 =	vmul.f32 v48, v27  }
0x232: {  	v29 =	vadd.f32 v29, v37;
	[tilespmem:v49+s29+$0x0] =	vst.idx.msk $0xffff, v30  }
0x233: {  	[tilespmem:v50+s29+$0x0] =	vst.idx.msk $0x3fff, v31  }
0x234: {  	v29 =	vadd.f32 v29, v38;
	v33 =	vld.idx.msk [tilespmem:v51+s2+$0x0], $0xffff  }
0x235: {  	v34 =	vld.idx.msk [tilespmem:v52+s2+$0x0], $0xffff  }
0x236: {  	v29 =	vadd.f32 v29, v39;
	v53 =	vadd.s32 s25, v19  }
0x237: {  	v54 =	vadd.s32 s25, v20  }
0x238: {  	v29 =	vadd.f32 v29, v40;
	v55 =	vadd.s32 $0x1A40, v26  }
0x239: {  	v56 =	vadd.s32 $0x1A40, v25;
	v33 =	vmul.f32 v33, v28  }
0x23a: {  	v29 =	vadd.f32 v29, v41;
	v34 =	vmul.f32 v34, v27  }
0x23b: {  	[tilespmem:v53+s29+$0x0] =	vst.idx.msk $0xffff, v33  }
0x23c: {  	v29 =	vadd.f32 v29, v42;
	[tilespmem:v54+s29+$0x0] =	vst.idx.msk $0x3fff, v34  }
0x23d: {  	v35 =	vld.idx.msk [tilespmem:v55+s2+$0x0], $0xffff  }
0x23e: {  	v29 =	vadd.f32 v29, v43;
	v36 =	vld.idx.msk [tilespmem:v56+s2+$0x0], $0xffff  }
0x23f: {  	v57 =	vadd.s32 s25, v21  }
0x240: {  	v58 =	vadd.s32 s25, v22;
	v29 =	vadd.f32 v29, v47  }
0x241: {  	v26 =	vadd.s32 $0x1CE0, v26  }
0x242: {  	v25 =	vadd.s32 $0x1CE0, v25;
	v29 =	vadd.f32 v29, v30;
	v59 =	vmul.f32 v35, v28  }
0x243: {  	v60 =	vmul.f32 v36, v27  }
0x244: {  	v29 =	vadd.f32 v29, v31;
	[tilespmem:v57+s29+$0x0] =	vst.idx.msk $0xffff, v59  }
0x245: {  	[tilespmem:v58+s29+$0x0] =	vst.idx.msk $0x3fff, v60  }
0x246: {  	v29 =	vadd.f32 v33, v29;
	v26 =	vld.idx.msk [tilespmem:v26+s2+$0x0], $0xffff  }
0x247: {  	v25 =	vld.idx.msk [tilespmem:v25+s2+$0x0], $0xffff  }
0x248: {  	v61 =	vadd.s32 s25, v23;
	v29 =	vadd.f32 v34, v29  }
0x249: {  	v62 =	vadd.s32 s25, v24  }
0x24a: {  	v29 =	vadd.f32 v59, v29  }
0x24b: {  	v26 =	vmul.f32 v26, v28  }
0x24c: {  	v63 =	vadd.f32 v60, v29;
	v25 =	vmul.f32 v25, v27  }
0x24d: {  	[tilespmem:v61+s29+$0x0] =	vst.idx.msk $0xffff, v26  }
0x24e: {  	s0 =	simm.s32 $0x1;
	v26 =	vadd.f32 v26, v63;
	[tilespmem:v62+s29+$0x0] =	vst.idx.msk $0x3fff, v25  }
.LBB2_4:
0x24f: {  	p0 =	sne.s32 s0, $0xAF  }
0x250: {  	v25 =	vadd.f32 v25, v26;
	s1 =	sadd.s32 $0x20, s1;
	s23 =	smov.u32 s0;
	s0 =	sadd.s32 $0x1, s0  }
0x251: {  	_ = 	snop  }
0x252: {  	[tilespmem:s30+$0x0] =	vst.add.f32.msk $0xffff, v25  }
0x253: {  	v25 =	vld [tilespmem:s1+$0x0]  }
0x254: {  	v27 =	vmov s23;
	v26 =	vld [tilespmem:s1+$0xFFFFFFF0];
	_ =	sdelay $0x5  }
0x255: {  	v27 =	vld.idx.msk [tilespmem:v27+s26+$0x0], $0xffff  }
0x256: {  	v28 =	vld.idx.msk [tilespmem:v25+s28+$0x0], $0xffff  }
0x257: {  	v29 =	vld.idx.msk [tilespmem:v26+s28+$0x0], $0xffff;
	_ =	sdelay $0x4  }
0x258: {  	v28 =	vadd.f32 v28, v27  }
0x259: {  	v27 =	vadd.f32 v29, v27  }
0x25a: {  	v29 =	vmul.f32 $5.000000000e-01, v28  }
0x25b: {  	v30 =	vmul.f32 $5.000000000e-01, v27  }
0x25c: {  	v28 =	vmax.f32 v28, v29  }
0x25d: {  	v27 =	vmax.f32 v27, v30;
	v29 =	vnsel vm0, $0xFF61B1E6, v28  }
0x25e: {  	v29 =	vmax.f32 v27, v29  }
0x25f: {  	(xrf0) =	vmax.scan.msk.f32 $0xffff, v29;
	_ =	sdelay $0x5  }
0x260: {  	v29, _, _ =	vpop (xrf0)  }
0x261: {  	v29 =	vbroadcast v29, $0xF;
	_ =	sdelay $0x1  }
0x262: {  	v27 =	vsub.f32 v27, v29;
	v28 =	vsub.f32 v28, v29;
	_ =	sdelay $0x1  }
0x263: {  	v27 =	vmul.f32 $1.442695020e+00, v27;
	v28 =	vmul.f32 $1.442695020e+00, v28;
	_ =	sdelay $0x1  }
0x264: {  	(erf) = vpow2.f32 v28  }
0x265: {  	(erf) = vpow2.f32 v27;
	_ =	sdelay $0x7  }
0x266: {  	v27 =	vpop (erf)  }
0x267: {  	v27 =	vnsel vm0, $0x0, v27;
	v28 =	vpop (erf)  }
0x268: {  	v29 =	vadd.f32 v27, v28;
	_ =	sdelay $0x1  }
0x269: {  	(xrf2) =	vadd.scan.msk.f32 $0xffff, v29;
	_ =	sdelay $0x9  }
0x26a: {  	v29, _, _ =	vpop (xrf2)  }
0x26b: {  	v29 =	vbroadcast v29, $0xF;
	_ =	sdelay $0x1  }
0x26c: {  	(erf) = vrcp.f32 v29;
	_ =	sdelay $0x4  }
0x26d: {  	v29 =	vld.idx.msk [tilespmem:v26+s2+$0x0], $0xffff  }
0x26e: {  	v30 =	vld.idx.msk [tilespmem:v25+s2+$0x0], $0xffff;
	_ =	sdelay $0x1  }
0x26f: {  	v31 =	vadd.s32 s23, v0  }
0x270: {  	v32 =	vadd.s32 s23, v2;
	v33 =	vpop (erf)  }
0x271: {  	v28 =	vmul.f32 v33, v28;
	v27 =	vmul.f32 v33, v27;
	v33 =	vadd.s32 $0x2A0, v26  }
0x272: {  	v34 =	vadd.s32 $0x2A0, v25  }
0x273: {  	v29 =	vmul.f32 v28, v29  }
0x274: {  	v30 =	vmul.f32 v27, v30  }
0x275: {  	[tilespmem:v31+s29+$0x0] =	vst.idx.msk $0xffff, v29;
	v29 =	vadd.f32 $0.0e+00, v29  }
0x276: {  	[tilespmem:v32+s29+$0x0] =	vst.idx.msk $0x3fff, v30  }
0x277: {  	v29 =	vadd.f32 v29, v30;
	v30 =	vld.idx.msk [tilespmem:v33+s2+$0x0], $0xffff  }
0x278: {  	v31 =	vld.idx.msk [tilespmem:v34+s2+$0x0], $0xffff  }
0x279: {  	v32 =	vadd.s32 s23, v3  }
0x27a: {  	v33 =	vadd.s32 s23, v4  }
0x27b: {  	v34 =	vadd.s32 $0x540, v26  }
0x27c: {  	v35 =	vadd.s32 $0x540, v25  }
0x27d: {  	v30 =	vmul.f32 v28, v30  }
0x27e: {  	v31 =	vmul.f32 v27, v31  }
0x27f: {  	v29 =	vadd.f32 v29, v30;
	[tilespmem:v32+s29+$0x0] =	vst.idx.msk $0xffff, v30  }
0x280: {  	[tilespmem:v33+s29+$0x0] =	vst.idx.msk $0x3fff, v31  }
0x281: {  	v29 =	vadd.f32 v29, v31;
	v30 =	vld.idx.msk [tilespmem:v34+s2+$0x0], $0xffff  }
0x282: {  	v31 =	vld.idx.msk [tilespmem:v35+s2+$0x0], $0xffff  }
0x283: {  	v32 =	vadd.s32 s23, v5  }
0x284: {  	v33 =	vadd.s32 s23, v6  }
0x285: {  	v34 =	vadd.s32 $0x7E0, v26  }
0x286: {  	v35 =	vadd.s32 $0x7E0, v25  }
0x287: {  	v30 =	vmul.f32 v28, v30  }
0x288: {  	v31 =	vmul.f32 v27, v31  }
0x289: {  	[tilespmem:v32+s29+$0x0] =	vst.idx.msk $0xffff, v30  }
0x28a: {  	[tilespmem:v33+s29+$0x0] =	vst.idx.msk $0x3fff, v31  }
0x28b: {  	v32 =	vld.idx.msk [tilespmem:v34+s2+$0x0], $0xffff  }
0x28c: {  	v33 =	vld.idx.msk [tilespmem:v35+s2+$0x0], $0xffff  }
0x28d: {  	v34 =	vadd.s32 s23, v7  }
0x28e: {  	v35 =	vadd.s32 s23, v8  }
0x28f: {  	v29 =	vadd.f32 v29, v30;
	v30 =	vadd.s32 $0xA80, v26  }
0x290: {  	v36 =	vadd.s32 $0xA80, v25  }
0x291: {  	v29 =	vadd.f32 v29, v31;
	v31 =	vmul.f32 v28, v32  }
0x292: {  	v32 =	vmul.f32 v27, v33  }
0x293: {  	v29 =	vadd.f32 v29, v31;
	[tilespmem:v34+s29+$0x0] =	vst.idx.msk $0xffff, v31  }
0x294: {  	[tilespmem:v35+s29+$0x0] =	vst.idx.msk $0x3fff, v32  }
0x295: {  	v29 =	vadd.f32 v29, v32;
	v30 =	vld.idx.msk [tilespmem:v30+s2+$0x0], $0xffff  }
0x296: {  	v31 =	vld.idx.msk [tilespmem:v36+s2+$0x0], $0xffff  }
0x297: {  	v32 =	vadd.s32 s23, v9  }
0x298: {  	v33 =	vadd.s32 s23, v10  }
0x299: {  	v34 =	vadd.s32 $0xD20, v26  }
0x29a: {  	v35 =	vadd.s32 $0xD20, v25  }
0x29b: {  	v30 =	vmul.f32 v28, v30  }
0x29c: {  	v31 =	vmul.f32 v31, v27  }
0x29d: {  	v29 =	vadd.f32 v29, v30;
	[tilespmem:v32+s29+$0x0] =	vst.idx.msk $0xffff, v30  }
0x29e: {  	[tilespmem:v33+s29+$0x0] =	vst.idx.msk $0x3fff, v31  }
0x29f: {  	v29 =	vadd.f32 v29, v31;
	v30 =	vld.idx.msk [tilespmem:v34+s2+$0x0], $0xffff  }
0x2a0: {  	v31 =	vld.idx.msk [tilespmem:v35+s2+$0x0], $0xffff  }
0x2a1: {  	v32 =	vadd.s32 s23, v11  }
0x2a2: {  	v33 =	vadd.s32 s23, v12  }
0x2a3: {  	v34 =	vadd.s32 $0xFC0, v26  }
0x2a4: {  	v35 =	vadd.s32 $0xFC0, v25  }
0x2a5: {  	v30 =	vmul.f32 v30, v28  }
0x2a6: {  	v31 =	vmul.f32 v31, v27  }
0x2a7: {  	v29 =	vadd.f32 v29, v30;
	[tilespmem:v32+s29+$0x0] =	vst.idx.msk $0xffff, v30  }
0x2a8: {  	[tilespmem:v33+s29+$0x0] =	vst.idx.msk $0x3fff, v31  }
0x2a9: {  	v29 =	vadd.f32 v29, v31;
	v30 =	vld.idx.msk [tilespmem:v34+s2+$0x0], $0xffff  }
0x2aa: {  	v31 =	vld.idx.msk [tilespmem:v35+s2+$0x0], $0xffff  }
0x2ab: {  	v32 =	vadd.s32 s23, v13  }
0x2ac: {  	v33 =	vadd.s32 s23, v14  }
0x2ad: {  	v34 =	vadd.s32 $0x1260, v26  }
0x2ae: {  	v35 =	vadd.s32 $0x1260, v25  }
0x2af: {  	v30 =	vmul.f32 v30, v28  }
0x2b0: {  	v31 =	vmul.f32 v31, v27  }
0x2b1: {  	v29 =	vadd.f32 v29, v30;
	[tilespmem:v32+s29+$0x0] =	vst.idx.msk $0xffff, v30  }
0x2b2: {  	[tilespmem:v33+s29+$0x0] =	vst.idx.msk $0x3fff, v31  }
0x2b3: {  	v29 =	vadd.f32 v29, v31;
	v30 =	vld.idx.msk [tilespmem:v34+s2+$0x0], $0xffff  }
0x2b4: {  	v31 =	vld.idx.msk [tilespmem:v35+s2+$0x0], $0xffff  }
0x2b5: {  	v32 =	vadd.s32 s23, v15  }
0x2b6: {  	v33 =	vadd.s32 s23, v16  }
0x2b7: {  	v34 =	vadd.s32 $0x1500, v26  }
0x2b8: {  	v35 =	vadd.s32 $0x1500, v25  }
0x2b9: {  	v30 =	vmul.f32 v30, v28  }
0x2ba: {  	v31 =	vmul.f32 v31, v27  }
0x2bb: {  	v29 =	vadd.f32 v29, v30;
	[tilespmem:v32+s29+$0x0] =	vst.idx.msk $0xffff, v30  }
0x2bc: {  	[tilespmem:v33+s29+$0x0] =	vst.idx.msk $0x3fff, v31  }
0x2bd: {  	v29 =	vadd.f32 v29, v31;
	v30 =	vld.idx.msk [tilespmem:v34+s2+$0x0], $0xffff  }
0x2be: {  	v31 =	vld.idx.msk [tilespmem:v35+s2+$0x0], $0xffff  }
0x2bf: {  	v32 =	vadd.s32 s23, v17  }
0x2c0: {  	v33 =	vadd.s32 s23, v18  }
0x2c1: {  	v34 =	vadd.s32 $0x17A0, v26  }
0x2c2: {  	v35 =	vadd.s32 $0x17A0, v25  }
0x2c3: {  	v30 =	vmul.f32 v30, v28  }
0x2c4: {  	v31 =	vmul.f32 v31, v27  }
0x2c5: {  	v29 =	vadd.f32 v29, v30;
	[tilespmem:v32+s29+$0x0] =	vst.idx.msk $0xffff, v30  }
0x2c6: {  	[tilespmem:v33+s29+$0x0] =	vst.idx.msk $0x3fff, v31  }
0x2c7: {  	v29 =	vadd.f32 v29, v31;
	v30 =	vld.idx.msk [tilespmem:v34+s2+$0x0], $0xffff  }
0x2c8: {  	v31 =	vld.idx.msk [tilespmem:v35+s2+$0x0], $0xffff  }
0x2c9: {  	v32 =	vadd.s32 s23, v19  }
0x2ca: {  	v33 =	vadd.s32 s23, v20  }
0x2cb: {  	v34 =	vadd.s32 $0x1A40, v26  }
0x2cc: {  	v35 =	vadd.s32 $0x1A40, v25  }
0x2cd: {  	v30 =	vmul.f32 v30, v28  }
0x2ce: {  	v31 =	vmul.f32 v31, v27  }
0x2cf: {  	v29 =	vadd.f32 v30, v29;
	[tilespmem:v32+s29+$0x0] =	vst.idx.msk $0xffff, v30  }
0x2d0: {  	[tilespmem:v33+s29+$0x0] =	vst.idx.msk $0x3fff, v31  }
0x2d1: {  	v29 =	vadd.f32 v31, v29;
	v30 =	vld.idx.msk [tilespmem:v34+s2+$0x0], $0xffff  }
0x2d2: {  	v31 =	vld.idx.msk [tilespmem:v35+s2+$0x0], $0xffff  }
0x2d3: {  	v32 =	vadd.s32 s23, v21  }
0x2d4: {  	v33 =	vadd.s32 s23, v22  }
0x2d5: {  	v26 =	vadd.s32 $0x1CE0, v26;
	_ =	sdelay $0x1  }
0x2d6: {  	v25 =	vadd.s32 $0x1CE0, v25;
	v30 =	vmul.f32 v30, v28  }
0x2d7: {  	v31 =	vmul.f32 v31, v27  }
0x2d8: {  	v29 =	vadd.f32 v30, v29;
	[tilespmem:v32+s29+$0x0] =	vst.idx.msk $0xffff, v30  }
0x2d9: {  	[tilespmem:v33+s29+$0x0] =	vst.idx.msk $0x3fff, v31  }
0x2da: {  	v29 =	vadd.f32 v31, v29;
	v26 =	vld.idx.msk [tilespmem:v26+s2+$0x0], $0xffff  }
0x2db: {  	v25 =	vld.idx.msk [tilespmem:v25+s2+$0x0], $0xffff;
	_ =	sdelay $0x1  }
0x2dc: {  	v30 =	vadd.s32 s23, v23  }
0x2dd: {  	v31 =	vadd.s32 s23, v24  }
.Ltmp1:
0x2de: {  	(pc) =	sbr.rel @p0 .LBB2_4-.Ltmp1, $4  }
0x2df: {  	v26 =	vmul.f32 v26, v28  }
0x2e0: {  	v25 =	vmul.f32 v25, v27  }
0x2e1: {  	[tilespmem:v30+s29+$0x0] =	vst.idx.msk $0xffff, v26;
	v26 =	vadd.f32 v26, v29  }
0x2e2: {  	[tilespmem:v31+s29+$0x0] =	vst.idx.msk $0x3fff, v25  }
0x2e3: {  	v25 =	vadd.f32 v25, v26;
	_ =	sdelay $0x1  }
0x2e4: {  	[tilespmem:s30+$0x0] =	vst.add.f32.msk $0xffff, v25  }
0x2e5: {  	[hbm4b:s19+s2] =	stream.linear.scatter [tilespmem:s29], [sflag:$0x1], $0xF780, $0x38;
	[tilespmem:$0x13380] =	vst v63  }
0x2e6: {  	s31 =	sadd.s32 $0x1, s31;
	_ =	swait.ge [sflag:s22], $0xF780  }
0x2e7: {  	p0 =	sne.s32 s31, s21;
	[sflag:s22] =	ssyncset.done $0x0  }
.Ltmp2:
0x2e8: {  	[sflag:s22] =	ssyncadd.s32 $0xFFFF0880;
	(pc) =	sbr.rel @p0 .LBB2_1-.Ltmp2, $4  }
0x2e9: {  	[hbm4b:s20+s2] =	stream.linear.scatter [tilespmem:s30], [sflag:$0x1], $0x10, $0x38;
	[tilespmem:$0x13380] =	vst v63  }
0x2ea: {  	_ =	swait.ge [sflag:s22], $0x10  }
0x2eb: {  	[sflag:s22] =	ssyncset.done $0x0  }
0x2ec: {  	[sflag:s22] =	ssyncadd.s32 $0xFFFFFFF0  }
0x2ed: {  	_ =	sfence.sel $0x180000  }
0x2ee: {  	[bflag:$0x0] =	sbarrier.arrive $0xFFFF  }
0x2ef: {  	_ =	strace $0x90000047  }
0x2f0: {  	s0 =	stileid.u32;
	[bflag:$0x2] =	sbarrier.arrive $0xFFFF  }
0x2f1: {  	p0 =	sne.s32 s0, $0x0;
	s0 =	rddreg [dreg:$0x2]  }
0x2f2: {  	s0 =	sadd.s32 @!p0 $0x100000, s0  }
0x2f3: {  	[sflag:s0] =	ssyncadd.tile.s32 @!p0 $0x1;
	_ =	shalt  }
.Lfunc_end2:
_tile_overlayer_lowered:
.L_overlay_start_2:
0x2f4: {  	(tag) =	ssettag $0x2  }
0x2f5: {  	s0 =	rddreg [dreg:$0x0];
	s2 =	stileid.u32  }
0x2f6: {  	s1 =	rddreg [dreg:$0x1];
	p0 =	sne.s32 s2, $0x0  }
0x2f7: {  	s3 =	rddreg [dreg:$0x2];
	[bflag:$0x3] =	sbarrier.arrive $0xFFFF;
	s2 =	simm.s32 @!p0 $0x1C01  }
0x2f8: {  	[timem:s3], [sflag:s2] =	dma.local @!p0 [hbm:s0], s1  }
0x2f9: {  	s0 =	simm.s32 @!p0 $0x1  }
0x2fa: {  	_ =	swait.ge @!p0 [sflag:s0], s1  }
0x2fb: {  	s1 =	ssub.s32 @!p0 $0x0, s1;
	[sflag:s0] =	ssyncset.done @!p0 $0x0  }
0x2fc: {  	[sflag:s0] =	ssyncadd.s32 @!p0 s1  }
0x2fd: {  	[bflag:$0x3] =	sbarrier.arrive $0xFFFF  }
0x2fe: {  	_ =	shalt  }

</sc_bundles>
